<compile_context>
chip_gen: v7x
topology: tpu7x:2x2x1
jax: 0.10.2.dev20260603
libtpu: 0.0.44.dev20260713+nightly
codegen_flags: <defaults>
</compile_context>

<pallas_src>
import functools

import jax
import jax.numpy as jnp
from jax import lax
from jax.experimental import pallas as pl
from jax.experimental.pallas import tpu as pltpu
from jax.experimental.pallas import tpu_sc as plsc

N = 10000
E = 320000
D = 32
LO = 40
HI = 142
R = HI - LO
ACCW = 48
AW = 112
NC = 2
NS = 16
NW = NC * NS
EPT = E // NW
G = 128
CODES = EPT + G + 32


def _sc_body(x_hbm, ei_hbm, pacc_hbm, pa_hbm,
             src_v, dst_v, codes_v, idx_v, rows_v, acc_v, acca_v,
             sem, sem2):
    wid = lax.axis_index("s") * NC + lax.axis_index("c")
    ebase = wid * EPT

    cp_src = pltpu.async_copy(ei_hbm.at[0, pl.ds(ebase, EPT)], src_v, sem2)
    cp_dst = pltpu.async_copy(ei_hbm.at[1, pl.ds(ebase, EPT)], dst_v, sem2)

    z16i = jnp.zeros((16,), jnp.int32)
    z16f = jnp.zeros((16,), jnp.float32)
    one16i = jnp.ones((16,), jnp.int32)

    def zero_acc(i, _):
        for c in range(ACCW // 16):
            acc_v[i, pl.ds(c * 16, 16)] = z16f
        for c in range(AW // 16):
            acca_v[i, pl.ds(c * 16, 16)] = z16f
        return 0

    lax.fori_loop(0, R, zero_acc, 0, unroll=2)
    cp_src.wait()
    cp_dst.wait()

    def compact(i, cnt_v):
        s = src_v[pl.ds(i * 16, 16)]
        dd = dst_v[pl.ds(i * 16, 16)]
        m = (dd >= LO) & (dd < HI)
        code = lax.shift_left(s, 7) + (dd - LO)
        mi = jnp.where(m, one16i, z16i)
        pos = jnp.maximum(cnt_v + plsc.cumsum(mi) - one16i, z16i)
        plsc.store_scatter(codes_v, [pos], code, mask=m)
        return cnt_v + plsc.all_reduce_population_count(m)

    cnt = lax.fori_loop(0, EPT // 16, compact, z16i, unroll=2)[0]

    for j in range(G // 16 + 1):
        codes_v[pl.ds(cnt + j * 16, 16)] = z16i

    e0 = jnp.where(lax.iota(jnp.int32, 16) == 0, 1.0, 0.0)
    lanes = lax.iota(jnp.int32, 16)

    def chunk(k, _):
        base = k * G
        for j in range(G // 16):
            idx_v[pl.ds(j * 16, 16)] = lax.shift_right_logical(
                codes_v[pl.ds(base + j * 16, 16)], 7)
        pltpu.async_copy(x_hbm.at[idx_v], rows_v, sem).wait()
        nthis = jnp.minimum(G, cnt - base)

        def edge(j, _):
            code = codes_v[pl.ds(base + j, 16)][0]
            dloc = code & 127
            s = lax.shift_right_logical(code, 7)
            acc_v[dloc, pl.ds(0, 16)] = (
                acc_v[dloc, pl.ds(0, 16)] + rows_v[j, pl.ds(0, 16)])
            acc_v[dloc, pl.ds(16, 16)] = (
                acc_v[dloc, pl.ds(16, 16)] + rows_v[j, pl.ds(16, 16)])
            acc_v[dloc, pl.ds(32, 16)] = acc_v[dloc, pl.ds(32, 16)] + e0
            sl = jnp.clip(s - LO, 0, R - 1)
            q16 = lax.shift_left(lax.shift_right_logical(sl, 4), 4)
            lane = sl & 15
            f = jnp.where((s >= LO) & (s < HI), 1.0, 0.0)
            oh = jnp.where(lanes == lane, f, 0.0)
            acca_v[dloc, pl.ds(q16, 16)] = acca_v[dloc, pl.ds(q16, 16)] + oh
            return 0

        lax.fori_loop(0, nthis, edge, 0)
        return 0

    nch = (cnt + G - 1) // G
    lax.fori_loop(0, nch, chunk, 0)

    pltpu.sync_copy(acc_v, pacc_hbm.at[wid])
    pltpu.sync_copy(acca_v, pa_hbm.at[wid])


_sc_pass = functools.partial(
    pl.kernel,
    out_type=(jax.ShapeDtypeStruct((NW, R, ACCW), jnp.float32),
              jax.ShapeDtypeStruct((NW, R, AW), jnp.float32)),
    mesh=plsc.VectorSubcoreMesh(core_axis_name="c", subcore_axis_name="s",
                                num_cores=NC, num_subcores=NS),
    scratch_types=[
        pltpu.VMEM((EPT,), jnp.int32),
        pltpu.VMEM((EPT,), jnp.int32),
        pltpu.VMEM((CODES,), jnp.int32),
        pltpu.VMEM((G,), jnp.int32),
        pltpu.VMEM((G, D), jnp.float32),
        pltpu.VMEM((R, ACCW), jnp.float32),
        pltpu.VMEM((R, AW), jnp.float32),
        pltpu.SemaphoreType.DMA,
        pltpu.SemaphoreType.DMA,
    ],
    compiler_params=pltpu.CompilerParams(
        needs_layout_passes=False,
        use_tc_tiling_on_sc=False,
    ),
)(_sc_body)


def _dot_nt(u, v):
    return lax.dot_general(u, v, (((1,), (1,)), ((), ())),
                           preferred_element_type=jnp.float32)


def _tc_body(pacc_ref, pa_ref, x_ref,
             w1l_ref, w1r_ref, w2l_ref, w2r_ref, w3l_ref, w3r_ref, b_ref,
             wfc1_ref, h3_ref, pa2_ref, wfc2_ref, b5_ref,
             out_ref, feat_ref):
    s = jnp.sum(pacc_ref[...], axis=0)
    t = s[:, :D]
    cm = jnp.maximum(s[:, D:D + 1], 1.0)
    a = jnp.sum(pa_ref[...], axis=0)[:, :R]
    x = x_ref[...]

    agg1 = t[0:44] / cm[0:44]
    h1 = jnp.maximum(_dot_nt(agg1, w1l_ref[...]) + b_ref[0:1]
                     + _dot_nt(x[40:84], w1r_ref[...]), 0.0)
    d1 = h1 - x[40:84]

    sum2 = t[44:72] + jnp.dot(a[44:72, 0:44], d1,
                              preferred_element_type=jnp.float32)
    h2 = jnp.maximum(_dot_nt(sum2 / cm[44:72], w2l_ref[...]) + b_ref[1:2]
                     + _dot_nt(x[84:112], w2r_ref[...]), 0.0)
    d2 = h2 - x[84:112]

    sum3 = (t[72:102]
            + jnp.dot(a[72:102, 0:44], d1, preferred_element_type=jnp.float32)
            + jnp.dot(a[72:102, 44:72], d2,
                      preferred_element_type=jnp.float32))
    h3 = jnp.maximum(_dot_nt(sum3 / cm[72:102], w3l_ref[...]) + b_ref[2:3]
                     + _dot_nt(x[112:142], w3r_ref[...]), 0.0)

    rows = jnp.concatenate(
        [x[1:8], x[17:22], x[29:32], x[37:38],
         h1[1:12], h1[25:34], h2[1:14], h3[0:30]], axis=0)
    for o in range(79):
        feat_ref[0:1, o * D:(o + 1) * D] = rows[o:o + 1, :]

    h = _dot_nt(feat_ref[...], wfc1_ref[...]) + h3_ref[0:1]
    mu = jnp.mean(h)
    var = jnp.mean((h - mu) ** 2)
    h = (h - mu) / jnp.sqrt(var + 1e-5) * h3_ref[1:2] + h3_ref[2:3]
    h = jnp.where(h >= 0.0, h, pa2_ref[0, 0] * h)
    o = _dot_nt(h, wfc2_ref[...]) + b5_ref[...]
    out_ref[...] = jnp.log1p(jnp.exp(-jnp.abs(o))) + jnp.maximum(o, 0.0)


def kernel(x, edge_index, W1l, b1l, W1r, W2l, b2l, W2r, W3l, b3l, W3r,
           Wfc1, bfc1, ln_g, ln_b, prelu_a, Wfc2, bfc2):
    pacc, pa = _sc_pass(x, edge_index)

    out = pl.pallas_call(
        _tc_body,
        out_shape=jax.ShapeDtypeStruct((1, 5), jnp.float32),
        scratch_shapes=[pltpu.VMEM((1, 79 * D), jnp.float32)],
    )(pacc, pa, x[:HI],
      W1l, W1r, W2l, W2r, W3l, W3r,
      jnp.stack([b1l, b2l, b3l]),
      Wfc1, jnp.stack([bfc1, ln_g, ln_b]),
      prelu_a.reshape(1, 1), Wfc2, bfc2.reshape(1, 5))

    return out.reshape(5)

# --- scband reference (transcript-rebuilt; emitter-appended) ---
"""Pipeline reference for scband-sage-30210799960888 (READ-ONLY COPY).

The authoritative reference and input builder live on the scoring server;
editing this copy changes nothing except your own understanding.
"""

import jax, jax.numpy as jnp
import numpy as np

N = 10000
E = 320000
D = 32

def _sage_conv(x, src, dst, Wl, bl, Wr):
    msg = x[src]
    agg = jax.ops.segment_sum(msg, dst, num_segments=N)
    cnt = jax.ops.segment_sum(jnp.ones((src.shape[0], 1), x.dtype), dst, num_segments=N)
    agg = agg / jnp.maximum(cnt, 1.0)
    return agg @ Wl.T + bl + x @ Wr.T

def _node_indices():
    parts = [np.arange(1, 8), np.arange(17, 22), np.arange(29, 32), np.array([37]),
             np.arange(41, 52), np.arange(65, 74), np.arange(85, 98), np.arange(112, 142)]
    return jnp.asarray(np.concatenate(parts), dtype=jnp.int32)

def setup_inputs(seed: int = 0):
    key = jax.random.key(seed)
    ks = jax.random.split(key, 16)
    s = 0.05
    inp = {}
    inp["x"] = jax.random.normal(ks[0], (N, D), dtype=jnp.float32)
    inp["edge_index"] = jax.random.randint(ks[1], (2, E), 0, N, dtype=jnp.int32)
    inp["W1l"] = jax.random.normal(ks[2], (D, D), dtype=jnp.float32) * s
    inp["b1l"] = jnp.zeros((D,), dtype=jnp.float32)
    inp["W1r"] = jax.random.normal(ks[3], (D, D), dtype=jnp.float32) * s
    inp["W2l"] = jax.random.normal(ks[4], (D, D), dtype=jnp.float32) * s
    inp["b2l"] = jnp.zeros((D,), dtype=jnp.float32)
    inp["W2r"] = jax.random.normal(ks[5], (D, D), dtype=jnp.float32) * s
    inp["W3l"] = jax.random.normal(ks[6], (D, D), dtype=jnp.float32) * s
    inp["b3l"] = jnp.zeros((D,), dtype=jnp.float32)
    inp["W3r"] = jax.random.normal(ks[7], (D, D), dtype=jnp.float32) * s
    inp["Wfc1"] = jax.random.normal(ks[8], (256, 2528), dtype=jnp.float32) * 0.02
    inp["bfc1"] = jnp.zeros((256,), dtype=jnp.float32)
    inp["ln_g"] = jnp.ones((256,), dtype=jnp.float32)
    inp["ln_b"] = jnp.zeros((256,), dtype=jnp.float32)
    inp["prelu_a"] = jnp.asarray(0.25, dtype=jnp.float32)
    inp["Wfc2"] = jax.random.normal(ks[9], (5, 256), dtype=jnp.float32) * 0.05
    inp["bfc2"] = jnp.zeros((5,), dtype=jnp.float32)
    return inp

def reference(x, edge_index, W1l, b1l, W1r, W2l, b2l, W2r, W3l, b3l, W3r, Wfc1, bfc1, ln_g, ln_b, prelu_a, Wfc2, bfc2):
    src, dst = edge_index[0], edge_index[1]
    s1 = jnp.arange(40, 84)
    s2 = jnp.arange(84, 112)
    s3 = jnp.arange(112, 142)
    h1 = jax.nn.relu(_sage_conv(x, src, dst, W1l, b1l, W1r))
    x1 = x.at[s1].set(h1[s1])
    h2 = jax.nn.relu(_sage_conv(x1, src, dst, W2l, b2l, W2r))
    x2 = x1.at[s2].set(h2[s2])
    h3 = jax.nn.relu(_sage_conv(x2, src, dst, W3l, b3l, W3r))
    x3 = x2.at[s3].set(h3[s3])
    idx = _node_indices()
    feat = x3[idx].reshape(-1)
    h = feat @ Wfc1.T + bfc1
    mu = jnp.mean(h)
    var = jnp.mean((h - mu) ** 2)
    h = (h - mu) / jnp.sqrt(var + 1e-5) * ln_g + ln_b
    h = jnp.where(h >= 0, h, prelu_a * h)
    out = h @ Wfc2.T + bfc2
    return jax.nn.softplus(out)

if __name__ == "__main__":
    import jax
    _d = setup_inputs()
    print(jax.jit(kernel)(*tuple(_d.values())))

</pallas_src>

<mosaic_0001>
#map = affine_map<(d0, d1) -> (0, 0)>
#map1 = affine_map<(d0, d1) -> (0, 0, 0)>
module attributes {stable_mosaic.version = 14 : i64} {
  func.func @_sc_body(%arg0: i32, %arg1: i32, %arg2: memref<10000x32xf32, #tpu.memory_space<hbm>>, %arg3: memref<2x320000xi32, #tpu.memory_space<hbm>>, %arg4: memref<32x102x48xf32, #tpu.memory_space<hbm>>, %arg5: memref<32x102x112xf32, #tpu.memory_space<hbm>>, %arg6: memref<10000xi32, #tpu.memory_space<vmem>>, %arg7: memref<10000xi32, #tpu.memory_space<vmem>>, %arg8: memref<10160xi32, #tpu.memory_space<vmem>>, %arg9: memref<128xi32, #tpu.memory_space<vmem>>, %arg10: memref<128x32xf32, #tpu.memory_space<vmem>>, %arg11: memref<102x48xf32, #tpu.memory_space<vmem>>, %arg12: memref<102x112xf32, #tpu.memory_space<vmem>>, %arg13: memref<!tpu.dma_semaphore, #tpu.memory_space<semaphore_mem>>, %arg14: memref<!tpu.dma_semaphore, #tpu.memory_space<semaphore_mem>>) attributes {dimension_semantics = [#tpu.dimension_semantics<core_parallel>, #tpu.dimension_semantics<subcore_parallel>], iteration_bounds = array<i64: 2, 16>, scalar_prefetch = 0 : i64, scratch_operands = 9 : i64, tpu.core_type = #tpu.core_type<sc_vector_subcore>, window_params = [{transform_indices = #map}, {transform_indices = #map}, {transform_indices = #map1}, {transform_indices = #map1}]} {
    %mul3A = arith.constant 2 : i32
    %mul3A_0 = arith.muli %arg1, %mul3A : i32
    %add3A = arith.addi %mul3A_0, %arg0 : i32
    %mul3A_1 = arith.constant 10000 : i32
    %mul3A_2 = arith.muli %add3A, %mul3A_1 : i32
    %dma_start3A = arith.constant 0 : i32
    %dma_start3A_3 = tpu.memref_slice %arg3[%dma_start3A, %mul3A_2] : memref<2x320000xi32, #tpu.memory_space<hbm>> -> memref<1x10000xi32, #tpu.memory_space<hbm>>
    %dma_start3A_4 = tpu.memref_squeeze %dma_start3A_3 : memref<1x10000xi32, #tpu.memory_space<hbm>> -> memref<10000xi32, #tpu.memory_space<hbm>>
    %dma_start3A_5 = tpu.memref_slice %arg3[%dma_start3A, %mul3A_2] : memref<2x320000xi32, #tpu.memory_space<hbm>> -> memref<1x10000xi32, #tpu.memory_space<hbm>>
    %dma_start3A_6 = tpu.memref_squeeze %dma_start3A_5 : memref<1x10000xi32, #tpu.memory_space<hbm>> -> memref<10000xi32, #tpu.memory_space<hbm>>
    tpu.enqueue_dma source(%dma_start3A_6 : memref<10000xi32, #tpu.memory_space<hbm>>) target(%arg6 : memref<10000xi32, #tpu.memory_space<vmem>>) target_semaphore(%arg14 : memref<!tpu.dma_semaphore, #tpu.memory_space<semaphore_mem>>)
    %dma_start3A_7 = arith.constant 1 : i32
    %dma_start3A_8 = tpu.memref_slice %arg3[%dma_start3A_7, %mul3A_2] : memref<2x320000xi32, #tpu.memory_space<hbm>> -> memref<1x10000xi32, #tpu.memory_space<hbm>>
    %dma_start3A_9 = tpu.memref_squeeze %dma_start3A_8 : memref<1x10000xi32, #tpu.memory_space<hbm>> -> memref<10000xi32, #tpu.memory_space<hbm>>
    %dma_start3A_10 = tpu.memref_slice %arg3[%dma_start3A_7, %mul3A_2] : memref<2x320000xi32, #tpu.memory_space<hbm>> -> memref<1x10000xi32, #tpu.memory_space<hbm>>
    %dma_start3A_11 = tpu.memref_squeeze %dma_start3A_10 : memref<1x10000xi32, #tpu.memory_space<hbm>> -> memref<10000xi32, #tpu.memory_space<hbm>>
    tpu.enqueue_dma source(%dma_start3A_11 : memref<10000xi32, #tpu.memory_space<hbm>>) target(%arg7 : memref<10000xi32, #tpu.memory_space<vmem>>) target_semaphore(%arg14 : memref<!tpu.dma_semaphore, #tpu.memory_space<semaphore_mem>>)
    %broadcast_in_dim3A = arith.constant 0 : i32
    %broadcast_in_dim3A_12 = vector.broadcast %broadcast_in_dim3A : i32 to vector<16xi32>
    %broadcast_in_dim3A_13 = arith.constant 0.000000e+00 : f32
    %broadcast_in_dim3A_14 = vector.broadcast %broadcast_in_dim3A_13 : f32 to vector<16xf32>
    %broadcast_in_dim3A_15 = arith.constant 1 : i32
    %broadcast_in_dim3A_16 = vector.broadcast %broadcast_in_dim3A_15 : i32 to vector<16xi32>
    %scan3A = arith.constant 0 : i32
    %scan3A_17 = arith.constant 0 : i32
    %scan3A_18 = arith.constant 102 : i32
    %scan3A_19 = arith.addi %scan3A_17, %scan3A_18 : i32
    %scan3A_20 = arith.constant 2 : i32
    %scan3A_21 = scf.for %scan3A_138 = %scan3A_17 to %scan3A_19 step %scan3A_20 iter_args(%scan3A_139 = %scan3A) -> (i32)  : i32 {
      %swap3A_140 = arith.index_cast %scan3A_138 : i32 to index
      %swap3A_141 = arith.constant 0 : index
      %swap3A_142 = tpu.vector_load %arg11[%swap3A_140, %swap3A_141] {strides = array<i32>} : memref<102x48xf32, #tpu.memory_space<vmem>>, vector<16xf32>,
      tpu.vector_store %arg11[%swap3A_140, %swap3A_141], %broadcast_in_dim3A_14 {strides = array<i32>} : memref<102x48xf32, #tpu.memory_space<vmem>>, vector<16xf32>,
      %swap3A_143 = arith.index_cast %scan3A_138 : i32 to index
      %swap3A_144 = arith.constant 16 : index
      %swap3A_145 = tpu.vector_load %arg11[%swap3A_143, %swap3A_144] {strides = array<i32>} : memref<102x48xf32, #tpu.memory_space<vmem>>, vector<16xf32>,
      tpu.vector_store %arg11[%swap3A_143, %swap3A_144], %broadcast_in_dim3A_14 {strides = array<i32>} : memref<102x48xf32, #tpu.memory_space<vmem>>, vector<16xf32>,
      %swap3A_146 = arith.index_cast %scan3A_138 : i32 to index
      %swap3A_147 = arith.constant 32 : index
      %swap3A_148 = tpu.vector_load %arg11[%swap3A_146, %swap3A_147] {strides = array<i32>} : memref<102x48xf32, #tpu.memory_space<vmem>>, vector<16xf32>,
      tpu.vector_store %arg11[%swap3A_146, %swap3A_147], %broadcast_in_dim3A_14 {strides = array<i32>} : memref<102x48xf32, #tpu.memory_space<vmem>>, vector<16xf32>,
      %swap3A_149 = arith.index_cast %scan3A_138 : i32 to index
      %swap3A_150 = arith.constant 0 : index
      %swap3A_151 = tpu.vector_load %arg12[%swap3A_149, %swap3A_150] {strides = array<i32>} : memref<102x112xf32, #tpu.memory_space<vmem>>, vector<16xf32>,
      tpu.vector_store %arg12[%swap3A_149, %swap3A_150], %broadcast_in_dim3A_14 {strides = array<i32>} : memref<102x112xf32, #tpu.memory_space<vmem>>, vector<16xf32>,
      %swap3A_152 = arith.index_cast %scan3A_138 : i32 to index
      %swap3A_153 = arith.constant 16 : index
      %swap3A_154 = tpu.vector_load %arg12[%swap3A_152, %swap3A_153] {strides = array<i32>} : memref<102x112xf32, #tpu.memory_space<vmem>>, vector<16xf32>,
      tpu.vector_store %arg12[%swap3A_152, %swap3A_153], %broadcast_in_dim3A_14 {strides = array<i32>} : memref<102x112xf32, #tpu.memory_space<vmem>>, vector<16xf32>,
      %swap3A_155 = arith.index_cast %scan3A_138 : i32 to index
      %swap3A_156 = arith.constant 32 : index
      %swap3A_157 = tpu.vector_load %arg12[%swap3A_155, %swap3A_156] {strides = array<i32>} : memref<102x112xf32, #tpu.memory_space<vmem>>, vector<16xf32>,
      tpu.vector_store %arg12[%swap3A_155, %swap3A_156], %broadcast_in_dim3A_14 {strides = array<i32>} : memref<102x112xf32, #tpu.memory_space<vmem>>, vector<16xf32>,
      %swap3A_158 = arith.index_cast %scan3A_138 : i32 to index
      %swap3A_159 = arith.constant 48 : index
      %swap3A_160 = tpu.vector_load %arg12[%swap3A_158, %swap3A_159] {strides = array<i32>} : memref<102x112xf32, #tpu.memory_space<vmem>>, vector<16xf32>,
      tpu.vector_store %arg12[%swap3A_158, %swap3A_159], %broadcast_in_dim3A_14 {strides = array<i32>} : memref<102x112xf32, #tpu.memory_space<vmem>>, vector<16xf32>,
      %swap3A_161 = arith.index_cast %scan3A_138 : i32 to index
      %swap3A_162 = arith.constant 64 : index
      %swap3A_163 = tpu.vector_load %arg12[%swap3A_161, %swap3A_162] {strides = array<i32>} : memref<102x112xf32, #tpu.memory_space<vmem>>, vector<16xf32>,
      tpu.vector_store %arg12[%swap3A_161, %swap3A_162], %broadcast_in_dim3A_14 {strides = array<i32>} : memref<102x112xf32, #tpu.memory_space<vmem>>, vector<16xf32>,
      %swap3A_164 = arith.index_cast %scan3A_138 : i32 to index
      %swap3A_165 = arith.constant 80 : index
      %swap3A_166 = tpu.vector_load %arg12[%swap3A_164, %swap3A_165] {strides = array<i32>} : memref<102x112xf32, #tpu.memory_space<vmem>>, vector<16xf32>,
      tpu.vector_store %arg12[%swap3A_164, %swap3A_165], %broadcast_in_dim3A_14 {strides = array<i32>} : memref<102x112xf32, #tpu.memory_space<vmem>>, vector<16xf32>,
      %swap3A_167 = arith.index_cast %scan3A_138 : i32 to index
      %swap3A_168 = arith.constant 96 : index
      %swap3A_169 = tpu.vector_load %arg12[%swap3A_167, %swap3A_168] {strides = array<i32>} : memref<102x112xf32, #tpu.memory_space<vmem>>, vector<16xf32>,
      tpu.vector_store %arg12[%swap3A_167, %swap3A_168], %broadcast_in_dim3A_14 {strides = array<i32>} : memref<102x112xf32, #tpu.memory_space<vmem>>, vector<16xf32>,
      %scan3A_170 = arith.constant 0 : i32
      %scan3A_171 = arith.constant 1 : i32
      %scan3A_172 = arith.addi %scan3A_138, %scan3A_171 : i32
      %swap3A_173 = arith.index_cast %scan3A_172 : i32 to index
      %swap3A_174 = arith.constant 0 : index
      %swap3A_175 = tpu.vector_load %arg11[%swap3A_173, %swap3A_174] {strides = array<i32>} : memref<102x48xf32, #tpu.memory_space<vmem>>, vector<16xf32>,
      tpu.vector_store %arg11[%swap3A_173, %swap3A_174], %broadcast_in_dim3A_14 {strides = array<i32>} : memref<102x48xf32, #tpu.memory_space<vmem>>, vector<16xf32>,
      %swap3A_176 = arith.index_cast %scan3A_172 : i32 to index
      %swap3A_177 = arith.constant 16 : index
      %swap3A_178 = tpu.vector_load %arg11[%swap3A_176, %swap3A_177] {strides = array<i32>} : memref<102x48xf32, #tpu.memory_space<vmem>>, vector<16xf32>,
      tpu.vector_store %arg11[%swap3A_176, %swap3A_177], %broadcast_in_dim3A_14 {strides = array<i32>} : memref<102x48xf32, #tpu.memory_space<vmem>>, vector<16xf32>,
      %swap3A_179 = arith.index_cast %scan3A_172 : i32 to index
      %swap3A_180 = arith.constant 32 : index
      %swap3A_181 = tpu.vector_load %arg11[%swap3A_179, %swap3A_180] {strides = array<i32>} : memref<102x48xf32, #tpu.memory_space<vmem>>, vector<16xf32>,
      tpu.vector_store %arg11[%swap3A_179, %swap3A_180], %broadcast_in_dim3A_14 {strides = array<i32>} : memref<102x48xf32, #tpu.memory_space<vmem>>, vector<16xf32>,
      %swap3A_182 = arith.index_cast %scan3A_172 : i32 to index
      %swap3A_183 = arith.constant 0 : index
      %swap3A_184 = tpu.vector_load %arg12[%swap3A_182, %swap3A_183] {strides = array<i32>} : memref<102x112xf32, #tpu.memory_space<vmem>>, vector<16xf32>,
      tpu.vector_store %arg12[%swap3A_182, %swap3A_183], %broadcast_in_dim3A_14 {strides = array<i32>} : memref<102x112xf32, #tpu.memory_space<vmem>>, vector<16xf32>,
      %swap3A_185 = arith.index_cast %scan3A_172 : i32 to index
      %swap3A_186 = arith.constant 16 : index
      %swap3A_187 = tpu.vector_load %arg12[%swap3A_185, %swap3A_186] {strides = array<i32>} : memref<102x112xf32, #tpu.memory_space<vmem>>, vector<16xf32>,
      tpu.vector_store %arg12[%swap3A_185, %swap3A_186], %broadcast_in_dim3A_14 {strides = array<i32>} : memref<102x112xf32, #tpu.memory_space<vmem>>, vector<16xf32>,
      %swap3A_188 = arith.index_cast %scan3A_172 : i32 to index
      %swap3A_189 = arith.constant 32 : index
      %swap3A_190 = tpu.vector_load %arg12[%swap3A_188, %swap3A_189] {strides = array<i32>} : memref<102x112xf32, #tpu.memory_space<vmem>>, vector<16xf32>,
      tpu.vector_store %arg12[%swap3A_188, %swap3A_189], %broadcast_in_dim3A_14 {strides = array<i32>} : memref<102x112xf32, #tpu.memory_space<vmem>>, vector<16xf32>,
      %swap3A_191 = arith.index_cast %scan3A_172 : i32 to index
      %swap3A_192 = arith.constant 48 : index
      %swap3A_193 = tpu.vector_load %arg12[%swap3A_191, %swap3A_192] {strides = array<i32>} : memref<102x112xf32, #tpu.memory_space<vmem>>, vector<16xf32>,
      tpu.vector_store %arg12[%swap3A_191, %swap3A_192], %broadcast_in_dim3A_14 {strides = array<i32>} : memref<102x112xf32, #tpu.memory_space<vmem>>, vector<16xf32>,
      %swap3A_194 = arith.index_cast %scan3A_172 : i32 to index
      %swap3A_195 = arith.constant 64 : index
      %swap3A_196 = tpu.vector_load %arg12[%swap3A_194, %swap3A_195] {strides = array<i32>} : memref<102x112xf32, #tpu.memory_space<vmem>>, vector<16xf32>,
      tpu.vector_store %arg12[%swap3A_194, %swap3A_195], %broadcast_in_dim3A_14 {strides = array<i32>} : memref<102x112xf32, #tpu.memory_space<vmem>>, vector<16xf32>,
      %swap3A_197 = arith.index_cast %scan3A_172 : i32 to index
      %swap3A_198 = arith.constant 80 : index
      %swap3A_199 = tpu.vector_load %arg12[%swap3A_197, %swap3A_198] {strides = array<i32>} : memref<102x112xf32, #tpu.memory_space<vmem>>, vector<16xf32>,
      tpu.vector_store %arg12[%swap3A_197, %swap3A_198], %broadcast_in_dim3A_14 {strides = array<i32>} : memref<102x112xf32, #tpu.memory_space<vmem>>, vector<16xf32>,
      %swap3A_200 = arith.index_cast %scan3A_172 : i32 to index
      %swap3A_201 = arith.constant 96 : index
      %swap3A_202 = tpu.vector_load %arg12[%swap3A_200, %swap3A_201] {strides = array<i32>} : memref<102x112xf32, #tpu.memory_space<vmem>>, vector<16xf32>,
      tpu.vector_store %arg12[%swap3A_200, %swap3A_201], %broadcast_in_dim3A_14 {strides = array<i32>} : memref<102x112xf32, #tpu.memory_space<vmem>>, vector<16xf32>,
      %scan3A_203 = arith.constant 0 : i32
      scf.yield %scan3A_203 : i32
    }
    %scan3A_22 = arith.constant 102 : i32
    %dma_wait3A = arith.constant 0 : i32
    %dma_wait3A_23 = tpu.memref_slice %arg3[%dma_wait3A, %mul3A_2] : memref<2x320000xi32, #tpu.memory_space<hbm>> -> memref<1x10000xi32, #tpu.memory_space<hbm>>
    %dma_wait3A_24 = tpu.memref_squeeze %dma_wait3A_23 : memref<1x10000xi32, #tpu.memory_space<hbm>> -> memref<10000xi32, #tpu.memory_space<hbm>>
    %dma_wait3A_25 = tpu.memref_slice %arg3[%dma_wait3A, %mul3A_2] : memref<2x320000xi32, #tpu.memory_space<hbm>> -> memref<1x10000xi32, #tpu.memory_space<hbm>>
    %dma_wait3A_26 = tpu.memref_squeeze %dma_wait3A_25 : memref<1x10000xi32, #tpu.memory_space<hbm>> -> memref<10000xi32, #tpu.memory_space<hbm>>
    tpu.wait_dma2 semaphore(%arg14 : memref<!tpu.dma_semaphore, #tpu.memory_space<semaphore_mem>>) src(%dma_wait3A_26 : memref<10000xi32, #tpu.memory_space<hbm>>) dst(%arg6 : memref<10000xi32, #tpu.memory_space<vmem>>)
    %dma_wait3A_27 = arith.constant 1 : i32
    %dma_wait3A_28 = tpu.memref_slice %arg3[%dma_wait3A_27, %mul3A_2] : memref<2x320000xi32, #tpu.memory_space<hbm>> -> memref<1x10000xi32, #tpu.memory_space<hbm>>
    %dma_wait3A_29 = tpu.memref_squeeze %dma_wait3A_28 : memref<1x10000xi32, #tpu.memory_space<hbm>> -> memref<10000xi32, #tpu.memory_space<hbm>>
    %dma_wait3A_30 = tpu.memref_slice %arg3[%dma_wait3A_27, %mul3A_2] : memref<2x320000xi32, #tpu.memory_space<hbm>> -> memref<1x10000xi32, #tpu.memory_space<hbm>>
    %dma_wait3A_31 = tpu.memref_squeeze %dma_wait3A_30 : memref<1x10000xi32, #tpu.memory_space<hbm>> -> memref<10000xi32, #tpu.memory_space<hbm>>
    tpu.wait_dma2 semaphore(%arg14 : memref<!tpu.dma_semaphore, #tpu.memory_space<semaphore_mem>>) src(%dma_wait3A_31 : memref<10000xi32, #tpu.memory_space<hbm>>) dst(%arg7 : memref<10000xi32, #tpu.memory_space<vmem>>)
    %scan3A_32 = arith.constant 0 : i32
    %scan3A_33 = arith.constant 624 : i32
    %scan3A_34 = arith.addi %scan3A_32, %scan3A_33 : i32
    %scan3A_35 = arith.constant 2 : i32
    %scan3A_36 = scf.for %scan3A_138 = %scan3A_32 to %scan3A_34 step %scan3A_35 iter_args(%scan3A_139 = %broadcast_in_dim3A_12) -> (vector<16xi32>)  : i32 {
      %mul3A_140 = arith.constant 16 : i32
      %mul3A_141 = arith.muli %scan3A_138, %mul3A_140 : i32
      %get3A_142 = arith.index_cast %mul3A_141 : i32 to index
      %get3A_143 = tpu.vector_load %arg6[%get3A_142] {strides = array<i32>} : memref<10000xi32, #tpu.memory_space<vmem>>, vector<16xi32>,
      %mul3A_144 = arith.constant 16 : i32
      %mul3A_145 = arith.muli %scan3A_138, %mul3A_144 : i32
      %get3A_146 = arith.index_cast %mul3A_145 : i32 to index
      %get3A_147 = tpu.vector_load %arg7[%get3A_146] {strides = array<i32>} : memref<10000xi32, #tpu.memory_space<vmem>>, vector<16xi32>,
      %ge3A_148 = arith.constant 40 : i32
      %ge3A_149 = vector.broadcast %ge3A_148 : i32 to vector<16xi32>
      %ge3A_150 = arith.cmpi sge, %get3A_147, %ge3A_149 : vector<16xi32>
      %lt3A_151 = arith.constant 142 : i32
      %lt3A_152 = vector.broadcast %lt3A_151 : i32 to vector<16xi32>
      %lt3A_153 = arith.cmpi slt, %get3A_147, %lt3A_152 : vector<16xi32>
      %and3A_154 = arith.andi %ge3A_150, %lt3A_153 : vector<16xi1>
      %shift_left3A_155 = arith.constant 7 : i32
      %shift_left3A_156 = vector.broadcast %shift_left3A_155 : i32 to vector<16xi32>
      %shift_left3A_157 = arith.shli %get3A_143, %shift_left3A_156 : vector<16xi32>
      %sub3A_158 = arith.constant 40 : i32
      %sub3A_159 = vector.broadcast %sub3A_158 : i32 to vector<16xi32>
      %sub3A_160 = arith.subi %get3A_147, %sub3A_159 : vector<16xi32>
      %add3A_161 = arith.addi %shift_left3A_157, %sub3A_160 : vector<16xi32>
      %select_n3A_162 = arith.select %and3A_154, %broadcast_in_dim3A_16, %broadcast_in_dim3A_12 : vector<16xi1>, vector<16xi32>
      %broadcast_in_dim3A_163 = arith.constant true
      %broadcast_in_dim3A_164 = vector.broadcast %broadcast_in_dim3A_163 : i1 to vector<16xi1>
      %masked_cumsum3A_165 = tpu.scan <sum>, %select_n3A_162 masked %broadcast_in_dim3A_164 : vector<16xi32>, vector<16xi1> -> vector<16xi32>
      %add3A_166 = arith.addi %scan3A_139, %masked_cumsum3A_165 : vector<16xi32>
      %sub3A_167 = arith.subi %add3A_166, %broadcast_in_dim3A_16 : vector<16xi32>
      %max3A_168 = arith.maxsi %sub3A_167, %broadcast_in_dim3A_12 : vector<16xi32>
      tpu.vector_store_idx %arg8[%max3A_168], %add3A_161 masked %and3A_154 : memref<10160xi32, #tpu.memory_space<vmem>>[vector<16xi32>], vector<16xi32>, vector<16xi1>
      %all_reduce_population_count3A_169 = tpu.all_reduce %and3A_154 {dim = 0 : i64, kind = #tpu.reduction_kind<sum>} : vector<16xi1> -> vector<16xi32>
      %add3A_170 = arith.addi %scan3A_139, %all_reduce_population_count3A_169 : vector<16xi32>
      %scan3A_171 = arith.constant 1 : i32
      %scan3A_172 = arith.addi %scan3A_138, %scan3A_171 : i32
      %mul3A_173 = arith.constant 16 : i32
      %mul3A_174 = arith.muli %scan3A_172, %mul3A_173 : i32
      %get3A_175 = arith.index_cast %mul3A_174 : i32 to index
      %get3A_176 = tpu.vector_load %arg6[%get3A_175] {strides = array<i32>} : memref<10000xi32, #tpu.memory_space<vmem>>, vector<16xi32>,
      %mul3A_177 = arith.constant 16 : i32
      %mul3A_178 = arith.muli %scan3A_172, %mul3A_177 : i32
      %get3A_179 = arith.index_cast %mul3A_178 : i32 to index
      %get3A_180 = tpu.vector_load %arg7[%get3A_179] {strides = array<i32>} : memref<10000xi32, #tpu.memory_space<vmem>>, vector<16xi32>,
      %ge3A_181 = arith.constant 40 : i32
      %ge3A_182 = vector.broadcast %ge3A_181 : i32 to vector<16xi32>
      %ge3A_183 = arith.cmpi sge, %get3A_180, %ge3A_182 : vector<16xi32>
      %lt3A_184 = arith.constant 142 : i32
      %lt3A_185 = vector.broadcast %lt3A_184 : i32 to vector<16xi32>
      %lt3A_186 = arith.cmpi slt, %get3A_180, %lt3A_185 : vector<16xi32>
      %and3A_187 = arith.andi %ge3A_183, %lt3A_186 : vector<16xi1>
      %shift_left3A_188 = arith.constant 7 : i32
      %shift_left3A_189 = vector.broadcast %shift_left3A_188 : i32 to vector<16xi32>
      %shift_left3A_190 = arith.shli %get3A_176, %shift_left3A_189 : vector<16xi32>
      %sub3A_191 = arith.constant 40 : i32
      %sub3A_192 = vector.broadcast %sub3A_191 : i32 to vector<16xi32>
      %sub3A_193 = arith.subi %get3A_180, %sub3A_192 : vector<16xi32>
      %add3A_194 = arith.addi %shift_left3A_190, %sub3A_193 : vector<16xi32>
      %select_n3A_195 = arith.select %and3A_187, %broadcast_in_dim3A_16, %broadcast_in_dim3A_12 : vector<16xi1>, vector<16xi32>
      %broadcast_in_dim3A_196 = arith.constant true
      %broadcast_in_dim3A_197 = vector.broadcast %broadcast_in_dim3A_196 : i1 to vector<16xi1>
      %masked_cumsum3A_198 = tpu.scan <sum>, %select_n3A_195 masked %broadcast_in_dim3A_197 : vector<16xi32>, vector<16xi1> -> vector<16xi32>
      %add3A_199 = arith.addi %add3A_170, %masked_cumsum3A_198 : vector<16xi32>
      %sub3A_200 = arith.subi %add3A_199, %broadcast_in_dim3A_16 : vector<16xi32>
      %max3A_201 = arith.maxsi %sub3A_200, %broadcast_in_dim3A_12 : vector<16xi32>
      tpu.vector_store_idx %arg8[%max3A_201], %add3A_194 masked %and3A_187 : memref<10160xi32, #tpu.memory_space<vmem>>[vector<16xi32>], vector<16xi32>, vector<16xi1>
      %all_reduce_population_count3A_202 = tpu.all_reduce %and3A_187 {dim = 0 : i64, kind = #tpu.reduction_kind<sum>} : vector<16xi1> -> vector<16xi32>
      %add3A_203 = arith.addi %add3A_170, %all_reduce_population_count3A_202 : vector<16xi32>
      scf.yield %add3A_203 : vector<16xi32>
    }
    %scan3A_37 = arith.constant 624 : i32
    %scan3A_38 = arith.addi %scan3A_32, %scan3A_37 : i32
    %mul3A_39 = arith.constant 16 : i32
    %mul3A_40 = arith.muli %scan3A_38, %mul3A_39 : i32
    %get3A = arith.index_cast %mul3A_40 : i32 to index
    %get3A_41 = tpu.vector_load %arg6[%get3A] {strides = array<i32>} : memref<10000xi32, #tpu.memory_space<vmem>>, vector<16xi32>,
    %mul3A_42 = arith.constant 16 : i32
    %mul3A_43 = arith.muli %scan3A_38, %mul3A_42 : i32
    %get3A_44 = arith.index_cast %mul3A_43 : i32 to index
    %get3A_45 = tpu.vector_load %arg7[%get3A_44] {strides = array<i32>} : memref<10000xi32, #tpu.memory_space<vmem>>, vector<16xi32>,
    %ge3A = arith.constant 40 : i32
    %ge3A_46 = vector.broadcast %ge3A : i32 to vector<16xi32>
    %ge3A_47 = arith.cmpi sge, %get3A_45, %ge3A_46 : vector<16xi32>
    %lt3A = arith.constant 142 : i32
    %lt3A_48 = vector.broadcast %lt3A : i32 to vector<16xi32>
    %lt3A_49 = arith.cmpi slt, %get3A_45, %lt3A_48 : vector<16xi32>
    %and3A = arith.andi %ge3A_47, %lt3A_49 : vector<16xi1>
    %shift_left3A = arith.constant 7 : i32
    %shift_left3A_50 = vector.broadcast %shift_left3A : i32 to vector<16xi32>
    %shift_left3A_51 = arith.shli %get3A_41, %shift_left3A_50 : vector<16xi32>
    %sub3A = arith.constant 40 : i32
    %sub3A_52 = vector.broadcast %sub3A : i32 to vector<16xi32>
    %sub3A_53 = arith.subi %get3A_45, %sub3A_52 : vector<16xi32>
    %add3A_54 = arith.addi %shift_left3A_51, %sub3A_53 : vector<16xi32>
    %select_n3A = arith.select %and3A, %broadcast_in_dim3A_16, %broadcast_in_dim3A_12 : vector<16xi1>, vector<16xi32>
    %broadcast_in_dim3A_55 = arith.constant true
    %broadcast_in_dim3A_56 = vector.broadcast %broadcast_in_dim3A_55 : i1 to vector<16xi1>
    %masked_cumsum3A = tpu.scan <sum>, %select_n3A masked %broadcast_in_dim3A_56 : vector<16xi32>, vector<16xi1> -> vector<16xi32>
    %add3A_57 = arith.addi %scan3A_36, %masked_cumsum3A : vector<16xi32>
    %sub3A_58 = arith.subi %add3A_57, %broadcast_in_dim3A_16 : vector<16xi32>
    %max3A = arith.maxsi %sub3A_58, %broadcast_in_dim3A_12 : vector<16xi32>
    tpu.vector_store_idx %arg8[%max3A], %add3A_54 masked %and3A : memref<10160xi32, #tpu.memory_space<vmem>>[vector<16xi32>], vector<16xi32>, vector<16xi1>
    %all_reduce_population_count3A = tpu.all_reduce %and3A {dim = 0 : i64, kind = #tpu.reduction_kind<sum>} : vector<16xi1> -> vector<16xi32>
    %add3A_59 = arith.addi %scan3A_36, %all_reduce_population_count3A : vector<16xi32>
    %scan3A_60 = arith.constant 625 : i32
    %slice3A = vector.extract_strided_slice %add3A_59 {offsets = [0], sizes = [1], strides = [1]} : vector<16xi32> to vector<1xi32>
    %squeeze3A = vector.extract %slice3A[0] : i32 from vector<1xi32>
    %add3A_61 = arith.constant 0 : i32
    %add3A_62 = arith.addi %squeeze3A, %add3A_61 : i32
    %swap3A = arith.index_cast %add3A_62 : i32 to index
    %swap3A_63 = tpu.vector_load %arg8[%swap3A] {strides = array<i32>} : memref<10160xi32, #tpu.memory_space<vmem>>, vector<16xi32>,
    tpu.vector_store %arg8[%swap3A], %broadcast_in_dim3A_12 {strides = array<i32>} : memref<10160xi32, #tpu.memory_space<vmem>>, vector<16xi32>,
    %add3A_64 = arith.constant 16 : i32
    %add3A_65 = arith.addi %squeeze3A, %add3A_64 : i32
    %swap3A_66 = arith.index_cast %add3A_65 : i32 to index
    %swap3A_67 = tpu.vector_load %arg8[%swap3A_66] {strides = array<i32>} : memref<10160xi32, #tpu.memory_space<vmem>>, vector<16xi32>,
    tpu.vector_store %arg8[%swap3A_66], %broadcast_in_dim3A_12 {strides = array<i32>} : memref<10160xi32, #tpu.memory_space<vmem>>, vector<16xi32>,
    %add3A_68 = arith.constant 32 : i32
    %add3A_69 = arith.addi %squeeze3A, %add3A_68 : i32
    %swap3A_70 = arith.index_cast %add3A_69 : i32 to index
    %swap3A_71 = tpu.vector_load %arg8[%swap3A_70] {strides = array<i32>} : memref<10160xi32, #tpu.memory_space<vmem>>, vector<16xi32>,
    tpu.vector_store %arg8[%swap3A_70], %broadcast_in_dim3A_12 {strides = array<i32>} : memref<10160xi32, #tpu.memory_space<vmem>>, vector<16xi32>,
    %add3A_72 = arith.constant 48 : i32
    %add3A_73 = arith.addi %squeeze3A, %add3A_72 : i32
    %swap3A_74 = arith.index_cast %add3A_73 : i32 to index
    %swap3A_75 = tpu.vector_load %arg8[%swap3A_74] {strides = array<i32>} : memref<10160xi32, #tpu.memory_space<vmem>>, vector<16xi32>,
    tpu.vector_store %arg8[%swap3A_74], %broadcast_in_dim3A_12 {strides = array<i32>} : memref<10160xi32, #tpu.memory_space<vmem>>, vector<16xi32>,
    %add3A_76 = arith.constant 64 : i32
    %add3A_77 = arith.addi %squeeze3A, %add3A_76 : i32
    %swap3A_78 = arith.index_cast %add3A_77 : i32 to index
    %swap3A_79 = tpu.vector_load %arg8[%swap3A_78] {strides = array<i32>} : memref<10160xi32, #tpu.memory_space<vmem>>, vector<16xi32>,
    tpu.vector_store %arg8[%swap3A_78], %broadcast_in_dim3A_12 {strides = array<i32>} : memref<10160xi32, #tpu.memory_space<vmem>>, vector<16xi32>,
    %add3A_80 = arith.constant 80 : i32
    %add3A_81 = arith.addi %squeeze3A, %add3A_80 : i32
    %swap3A_82 = arith.index_cast %add3A_81 : i32 to index
    %swap3A_83 = tpu.vector_load %arg8[%swap3A_82] {strides = array<i32>} : memref<10160xi32, #tpu.memory_space<vmem>>, vector<16xi32>,
    tpu.vector_store %arg8[%swap3A_82], %broadcast_in_dim3A_12 {strides = array<i32>} : memref<10160xi32, #tpu.memory_space<vmem>>, vector<16xi32>,
    %add3A_84 = arith.constant 96 : i32
    %add3A_85 = arith.addi %squeeze3A, %add3A_84 : i32
    %swap3A_86 = arith.index_cast %add3A_85 : i32 to index
    %swap3A_87 = tpu.vector_load %arg8[%swap3A_86] {strides = array<i32>} : memref<10160xi32, #tpu.memory_space<vmem>>, vector<16xi32>,
    tpu.vector_store %arg8[%swap3A_86], %broadcast_in_dim3A_12 {strides = array<i32>} : memref<10160xi32, #tpu.memory_space<vmem>>, vector<16xi32>,
    %add3A_88 = arith.constant 112 : i32
    %add3A_89 = arith.addi %squeeze3A, %add3A_88 : i32
    %swap3A_90 = arith.index_cast %add3A_89 : i32 to index
    %swap3A_91 = tpu.vector_load %arg8[%swap3A_90] {strides = array<i32>} : memref<10160xi32, #tpu.memory_space<vmem>>, vector<16xi32>,
    tpu.vector_store %arg8[%swap3A_90], %broadcast_in_dim3A_12 {strides = array<i32>} : memref<10160xi32, #tpu.memory_space<vmem>>, vector<16xi32>,
    %add3A_92 = arith.constant 128 : i32
    %add3A_93 = arith.addi %squeeze3A, %add3A_92 : i32
    %swap3A_94 = arith.index_cast %add3A_93 : i32 to index
    %swap3A_95 = tpu.vector_load %arg8[%swap3A_94] {strides = array<i32>} : memref<10160xi32, #tpu.memory_space<vmem>>, vector<16xi32>,
    tpu.vector_store %arg8[%swap3A_94], %broadcast_in_dim3A_12 {strides = array<i32>} : memref<10160xi32, #tpu.memory_space<vmem>>, vector<16xi32>,
    %iota3A = tpu.iota {dimensions = array<i32: 0>} : vector<16xi32>
    %eq3A = arith.constant 0 : i32
    %eq3A_96 = vector.broadcast %eq3A : i32 to vector<16xi32>
    %eq3A_97 = arith.cmpi eq, %iota3A, %eq3A_96 : vector<16xi32>
    %jit3A = arith.constant 1.000000e+00 : f32
    %jit3A_98 = arith.constant 0.000000e+00 : f32
    %broadcast_in_dim3A_99 = vector.broadcast %jit3A : f32 to vector<16xf32>
    %broadcast_in_dim3A_100 = vector.broadcast %jit3A_98 : f32 to vector<16xf32>
    %select_n3A_101 = arith.select %eq3A_97, %broadcast_in_dim3A_99, %broadcast_in_dim3A_100 : vector<16xi1>, vector<16xf32>
    %iota3A_102 = tpu.iota {dimensions = array<i32: 0>} : vector<16xi32>
    %add3A_103 = arith.constant 128 : i32
    %add3A_104 = arith.addi %squeeze3A, %add3A_103 : i32
    %sub3A_105 = arith.constant 1 : i32
    %sub3A_106 = arith.subi %add3A_104, %sub3A_105 : i32
    %jit3A_107 = arith.constant 128 : i32
    %div3A = arith.divsi %sub3A_106, %jit3A_107 : i32
    %sign3A = arith.constant 0 : i32
    %sign3A_108 = arith.cmpi sgt, %sub3A_106, %sign3A : i32
    %sign3A_109 = arith.extui %sign3A_108 : i1 to i32
    %sign3A_110 = arith.constant 0 : i32
    %sign3A_111 = arith.cmpi slt, %sub3A_106, %sign3A_110 : i32
    %sign3A_112 = arith.extui %sign3A_111 : i1 to i32
    %sign3A_113 = arith.subi %sign3A_109, %sign3A_112 : i32
    %sign3A_114 = arith.constant 0 : i32
    %sign3A_115 = arith.cmpi sgt, %jit3A_107, %sign3A_114 : i32
    %sign3A_116 = arith.extui %sign3A_115 : i1 to i32
    %sign3A_117 = arith.constant 0 : i32
    %sign3A_118 = arith.cmpi slt, %jit3A_107, %sign3A_117 : i32
    %sign3A_119 = arith.extui %sign3A_118 : i1 to i32
    %sign3A_120 = arith.subi %sign3A_116, %sign3A_119 : i32
    %ne3A = arith.cmpi ne, %sign3A_113, %sign3A_120 : i32
    %rem3A = arith.remsi %sub3A_106, %jit3A_107 : i32
    %ne3A_121 = arith.constant 0 : i32
    %ne3A_122 = arith.cmpi ne, %rem3A, %ne3A_121 : i32
    %and3A_123 = arith.andi %ne3A, %ne3A_122 : i1
    %sub3A_124 = arith.constant 1 : i32
    %sub3A_125 = arith.subi %div3A, %sub3A_124 : i32
    %select_n3A_126 = arith.select %and3A_123, %sub3A_125, %div3A : i32
    %while3A = arith.constant 0 : i32
    %while3A_127 = arith.constant 0 : i32
    %while3A_128 = arith.subi %select_n3A_126, %while3A : i32
    %while3A_129 = arith.addi %while3A, %while3A_128 : i32
    %while3A_130 = arith.constant 1 : i32
    %while3A_131 = arith.divsi %while3A_128, %while3A_130 : i32
    %while3A_132 = arith.muli %while3A_131, %while3A_130 : i32
    %while3A_133 = arith.addi %while3A, %while3A_132 : i32
    %while3A_134 = arith.constant 1 : i32
    %while3A_135 = scf.for %while3A_138 = %while3A to %while3A_133 step %while3A_134 iter_args(%while3A_139 = %while3A_127) -> (i32)  : i32 {
      %mul3A_140 = arith.constant 128 : i32
      %mul3A_141 = arith.muli %while3A_138, %mul3A_140 : i32
      %add3A_142 = arith.constant 0 : i32
      %add3A_143 = arith.addi %mul3A_141, %add3A_142 : i32
      %get3A_144 = arith.index_cast %add3A_143 : i32 to index
      %get3A_145 = tpu.vector_load %arg8[%get3A_144] {strides = array<i32>} : memref<10160xi32, #tpu.memory_space<vmem>>, vector<16xi32>,
      %shift_right_logical3A = arith.constant 7 : i32
      %shift_right_logical3A_146 = vector.broadcast %shift_right_logical3A : i32 to vector<16xi32>
      %shift_right_logical3A_147 = arith.shrui %get3A_145, %shift_right_logical3A_146 : vector<16xi32>
      %swap3A_148 = arith.constant 0 : index
      %swap3A_149 = tpu.vector_load %arg9[%swap3A_148] {strides = array<i32>} : memref<128xi32, #tpu.memory_space<vmem>>, vector<16xi32>,
      tpu.vector_store %arg9[%swap3A_148], %shift_right_logical3A_147 {strides = array<i32>} : memref<128xi32, #tpu.memory_space<vmem>>, vector<16xi32>,
      %add3A_150 = arith.constant 16 : i32
      %add3A_151 = arith.addi %mul3A_141, %add3A_150 : i32
      %get3A_152 = arith.index_cast %add3A_151 : i32 to index
      %get3A_153 = tpu.vector_load %arg8[%get3A_152] {strides = array<i32>} : memref<10160xi32, #tpu.memory_space<vmem>>, vector<16xi32>,
      %shift_right_logical3A_154 = arith.constant 7 : i32
      %shift_right_logical3A_155 = vector.broadcast %shift_right_logical3A_154 : i32 to vector<16xi32>
      %shift_right_logical3A_156 = arith.shrui %get3A_153, %shift_right_logical3A_155 : vector<16xi32>
      %swap3A_157 = arith.constant 16 : index
      %swap3A_158 = tpu.vector_load %arg9[%swap3A_157] {strides = array<i32>} : memref<128xi32, #tpu.memory_space<vmem>>, vector<16xi32>,
      tpu.vector_store %arg9[%swap3A_157], %shift_right_logical3A_156 {strides = array<i32>} : memref<128xi32, #tpu.memory_space<vmem>>, vector<16xi32>,
      %add3A_159 = arith.constant 32 : i32
      %add3A_160 = arith.addi %mul3A_141, %add3A_159 : i32
      %get3A_161 = arith.index_cast %add3A_160 : i32 to index
      %get3A_162 = tpu.vector_load %arg8[%get3A_161] {strides = array<i32>} : memref<10160xi32, #tpu.memory_space<vmem>>, vector<16xi32>,
      %shift_right_logical3A_163 = arith.constant 7 : i32
      %shift_right_logical3A_164 = vector.broadcast %shift_right_logical3A_163 : i32 to vector<16xi32>
      %shift_right_logical3A_165 = arith.shrui %get3A_162, %shift_right_logical3A_164 : vector<16xi32>
      %swap3A_166 = arith.constant 32 : index
      %swap3A_167 = tpu.vector_load %arg9[%swap3A_166] {strides = array<i32>} : memref<128xi32, #tpu.memory_space<vmem>>, vector<16xi32>,
      tpu.vector_store %arg9[%swap3A_166], %shift_right_logical3A_165 {strides = array<i32>} : memref<128xi32, #tpu.memory_space<vmem>>, vector<16xi32>,
      %add3A_168 = arith.constant 48 : i32
      %add3A_169 = arith.addi %mul3A_141, %add3A_168 : i32
      %get3A_170 = arith.index_cast %add3A_169 : i32 to index
      %get3A_171 = tpu.vector_load %arg8[%get3A_170] {strides = array<i32>} : memref<10160xi32, #tpu.memory_space<vmem>>, vector<16xi32>,
      %shift_right_logical3A_172 = arith.constant 7 : i32
      %shift_right_logical3A_173 = vector.broadcast %shift_right_logical3A_172 : i32 to vector<16xi32>
      %shift_right_logical3A_174 = arith.shrui %get3A_171, %shift_right_logical3A_173 : vector<16xi32>
      %swap3A_175 = arith.constant 48 : index
      %swap3A_176 = tpu.vector_load %arg9[%swap3A_175] {strides = array<i32>} : memref<128xi32, #tpu.memory_space<vmem>>, vector<16xi32>,
      tpu.vector_store %arg9[%swap3A_175], %shift_right_logical3A_174 {strides = array<i32>} : memref<128xi32, #tpu.memory_space<vmem>>, vector<16xi32>,
      %add3A_177 = arith.constant 64 : i32
      %add3A_178 = arith.addi %mul3A_141, %add3A_177 : i32
      %get3A_179 = arith.index_cast %add3A_178 : i32 to index
      %get3A_180 = tpu.vector_load %arg8[%get3A_179] {strides = array<i32>} : memref<10160xi32, #tpu.memory_space<vmem>>, vector<16xi32>,
      %shift_right_logical3A_181 = arith.constant 7 : i32
      %shift_right_logical3A_182 = vector.broadcast %shift_right_logical3A_181 : i32 to vector<16xi32>
      %shift_right_logical3A_183 = arith.shrui %get3A_180, %shift_right_logical3A_182 : vector<16xi32>
      %swap3A_184 = arith.constant 64 : index
      %swap3A_185 = tpu.vector_load %arg9[%swap3A_184] {strides = array<i32>} : memref<128xi32, #tpu.memory_space<vmem>>, vector<16xi32>,
      tpu.vector_store %arg9[%swap3A_184], %shift_right_logical3A_183 {strides = array<i32>} : memref<128xi32, #tpu.memory_space<vmem>>, vector<16xi32>,
      %add3A_186 = arith.constant 80 : i32
      %add3A_187 = arith.addi %mul3A_141, %add3A_186 : i32
      %get3A_188 = arith.index_cast %add3A_187 : i32 to index
      %get3A_189 = tpu.vector_load %arg8[%get3A_188] {strides = array<i32>} : memref<10160xi32, #tpu.memory_space<vmem>>, vector<16xi32>,
      %shift_right_logical3A_190 = arith.constant 7 : i32
      %shift_right_logical3A_191 = vector.broadcast %shift_right_logical3A_190 : i32 to vector<16xi32>
      %shift_right_logical3A_192 = arith.shrui %get3A_189, %shift_right_logical3A_191 : vector<16xi32>
      %swap3A_193 = arith.constant 80 : index
      %swap3A_194 = tpu.vector_load %arg9[%swap3A_193] {strides = array<i32>} : memref<128xi32, #tpu.memory_space<vmem>>, vector<16xi32>,
      tpu.vector_store %arg9[%swap3A_193], %shift_right_logical3A_192 {strides = array<i32>} : memref<128xi32, #tpu.memory_space<vmem>>, vector<16xi32>,
      %add3A_195 = arith.constant 96 : i32
      %add3A_196 = arith.addi %mul3A_141, %add3A_195 : i32
      %get3A_197 = arith.index_cast %add3A_196 : i32 to index
      %get3A_198 = tpu.vector_load %arg8[%get3A_197] {strides = array<i32>} : memref<10160xi32, #tpu.memory_space<vmem>>, vector<16xi32>,
      %shift_right_logical3A_199 = arith.constant 7 : i32
      %shift_right_logical3A_200 = vector.broadcast %shift_right_logical3A_199 : i32 to vector<16xi32>
      %shift_right_logical3A_201 = arith.shrui %get3A_198, %shift_right_logical3A_200 : vector<16xi32>
      %swap3A_202 = arith.constant 96 : index
      %swap3A_203 = tpu.vector_load %arg9[%swap3A_202] {strides = array<i32>} : memref<128xi32, #tpu.memory_space<vmem>>, vector<16xi32>,
      tpu.vector_store %arg9[%swap3A_202], %shift_right_logical3A_201 {strides = array<i32>} : memref<128xi32, #tpu.memory_space<vmem>>, vector<16xi32>,
      %add3A_204 = arith.constant 112 : i32
      %add3A_205 = arith.addi %mul3A_141, %add3A_204 : i32
      %get3A_206 = arith.index_cast %add3A_205 : i32 to index
      %get3A_207 = tpu.vector_load %arg8[%get3A_206] {strides = array<i32>} : memref<10160xi32, #tpu.memory_space<vmem>>, vector<16xi32>,
      %shift_right_logical3A_208 = arith.constant 7 : i32
      %shift_right_logical3A_209 = vector.broadcast %shift_right_logical3A_208 : i32 to vector<16xi32>
      %shift_right_logical3A_210 = arith.shrui %get3A_207, %shift_right_logical3A_209 : vector<16xi32>
      %swap3A_211 = arith.constant 112 : index
      %swap3A_212 = tpu.vector_load %arg9[%swap3A_211] {strides = array<i32>} : memref<128xi32, #tpu.memory_space<vmem>>, vector<16xi32>,
      tpu.vector_store %arg9[%swap3A_211], %shift_right_logical3A_210 {strides = array<i32>} : memref<128xi32, #tpu.memory_space<vmem>>, vector<16xi32>,
      %dma_start3A_213 = arith.constant 0 : i32
      %dma_start3A_214 = arith.constant 0 : i32
      %dma_start3A_215 = tpu.memref_slice %arg2[%dma_start3A_213, %dma_start3A_214] : memref<10000x32xf32, #tpu.memory_space<hbm>> -> memref<10000x32xf32, #tpu.memory_space<hbm>>
      tpu.enqueue_indirect_dma source(%dma_start3A_215 : memref<10000x32xf32, #tpu.memory_space<hbm>>) target(%arg10 : memref<128x32xf32, #tpu.memory_space<vmem>>) offsets(%arg9 : memref<128xi32, #tpu.memory_space<vmem>>) semaphore(%arg13 : memref<!tpu.dma_semaphore, #tpu.memory_space<semaphore_mem>>)
      %dma_wait3A_216 = arith.constant 0 : i32
      %dma_wait3A_217 = arith.constant 0 : i32
      %dma_wait3A_218 = tpu.memref_slice %arg2[%dma_wait3A_216, %dma_wait3A_217] : memref<10000x32xf32, #tpu.memory_space<hbm>> -> memref<10000x32xf32, #tpu.memory_space<hbm>>
      tpu.wait_indirect_dma semaphore(%arg13 : memref<!tpu.dma_semaphore, #tpu.memory_space<semaphore_mem>>) src(%dma_wait3A_218 : memref<10000x32xf32, #tpu.memory_space<hbm>>) dst(%arg10 : memref<128x32xf32, #tpu.memory_space<vmem>>)
      %sub3A_219 = arith.subi %squeeze3A, %mul3A_141 : i32
      %min3A = arith.constant 128 : i32
      %min3A_220 = arith.minsi %min3A, %sub3A_219 : i32
      %while3A_221 = arith.constant 0 : i32
      %while3A_222 = arith.constant 0 : i32
      %while3A_223 = arith.subi %min3A_220, %while3A_221 : i32
      %while3A_224 = arith.addi %while3A_221, %while3A_223 : i32
      %while3A_225 = arith.constant 1 : i32
      %while3A_226 = arith.divsi %while3A_223, %while3A_225 : i32
      %while3A_227 = arith.muli %while3A_226, %while3A_225 : i32
      %while3A_228 = arith.addi %while3A_221, %while3A_227 : i32
      %while3A_229 = arith.constant 1 : i32
      %while3A_230 = scf.for %while3A_234 = %while3A_221 to %while3A_228 step %while3A_229 iter_args(%while3A_235 = %while3A_222) -> (i32)  : i32 {
        %add3A_236 = arith.addi %mul3A_141, %while3A_234 : i32
        %get3A_237 = arith.index_cast %add3A_236 : i32 to index
        %get3A_238 = tpu.vector_load %arg8[%get3A_237] {strides = array<i32>} : memref<10160xi32, #tpu.memory_space<vmem>>, vector<16xi32>,
        %slice3A_239 = vector.extract_strided_slice %get3A_238 {offsets = [0], sizes = [1], strides = [1]} : vector<16xi32> to vector<1xi32>
        %squeeze3A_240 = vector.extract %slice3A_239[0] : i32 from vector<1xi32>
        %and3A_241 = arith.constant 127 : i32
        %and3A_242 = arith.andi %squeeze3A_240, %and3A_241 : i32
        %shift_right_logical3A_243 = arith.constant 7 : i32
        %shift_right_logical3A_244 = arith.shrui %squeeze3A_240, %shift_right_logical3A_243 : i32
        %get3A_245 = arith.index_cast %and3A_242 : i32 to index
        %get3A_246 = arith.constant 0 : index
        %get3A_247 = tpu.vector_load %arg11[%get3A_245, %get3A_246] {strides = array<i32>} : memref<102x48xf32, #tpu.memory_space<vmem>>, vector<16xf32>,
        %get3A_248 = arith.index_cast %while3A_234 : i32 to index
        %get3A_249 = arith.constant 0 : index
        %get3A_250 = tpu.vector_load %arg10[%get3A_248, %get3A_249] {strides = array<i32>} : memref<128x32xf32, #tpu.memory_space<vmem>>, vector<16xf32>,
        %add3A_251 = arith.addf %get3A_247, %get3A_250 : vector<16xf32>
        %swap3A_252 = arith.index_cast %and3A_242 : i32 to index
        %swap3A_253 = arith.constant 0 : index
        %swap3A_254 = tpu.vector_load %arg11[%swap3A_252, %swap3A_253] {strides = array<i32>} : memref<102x48xf32, #tpu.memory_space<vmem>>, vector<16xf32>,
        tpu.vector_store %arg11[%swap3A_252, %swap3A_253], %add3A_251 {strides = array<i32>} : memref<102x48xf32, #tpu.memory_space<vmem>>, vector<16xf32>,
        %get3A_255 = arith.index_cast %and3A_242 : i32 to index
        %get3A_256 = arith.constant 16 : index
        %get3A_257 = tpu.vector_load %arg11[%get3A_255, %get3A_256] {strides = array<i32>} : memref<102x48xf32, #tpu.memory_space<vmem>>, vector<16xf32>,
        %get3A_258 = arith.index_cast %while3A_234 : i32 to index
        %get3A_259 = arith.constant 16 : index
        %get3A_260 = tpu.vector_load %arg10[%get3A_258, %get3A_259] {strides = array<i32>} : memref<128x32xf32, #tpu.memory_space<vmem>>, vector<16xf32>,
        %add3A_261 = arith.addf %get3A_257, %get3A_260 : vector<16xf32>
        %swap3A_262 = arith.index_cast %and3A_242 : i32 to index
        %swap3A_263 = arith.constant 16 : index
        %swap3A_264 = tpu.vector_load %arg11[%swap3A_262, %swap3A_263] {strides = array<i32>} : memref<102x48xf32, #tpu.memory_space<vmem>>, vector<16xf32>,
        tpu.vector_store %arg11[%swap3A_262, %swap3A_263], %add3A_261 {strides = array<i32>} : memref<102x48xf32, #tpu.memory_space<vmem>>, vector<16xf32>,
        %get3A_265 = arith.index_cast %and3A_242 : i32 to index
        %get3A_266 = arith.constant 32 : index
        %get3A_267 = tpu.vector_load %arg11[%get3A_265, %get3A_266] {strides = array<i32>} : memref<102x48xf32, #tpu.memory_space<vmem>>, vector<16xf32>,
        %add3A_268 = arith.addf %get3A_267, %select_n3A_101 : vector<16xf32>
        %swap3A_269 = arith.index_cast %and3A_242 : i32 to index
        %swap3A_270 = arith.constant 32 : index
        %swap3A_271 = tpu.vector_load %arg11[%swap3A_269, %swap3A_270] {strides = array<i32>} : memref<102x48xf32, #tpu.memory_space<vmem>>, vector<16xf32>,
        tpu.vector_store %arg11[%swap3A_269, %swap3A_270], %add3A_268 {strides = array<i32>} : memref<102x48xf32, #tpu.memory_space<vmem>>, vector<16xf32>,
        %sub3A_272 = arith.constant 40 : i32
        %sub3A_273 = arith.subi %shift_right_logical3A_244, %sub3A_272 : i32
        %jit3A_274 = arith.constant 0 : i32
        %jit3A_275 = arith.constant 101 : i32
        %max3A_276 = arith.maxsi %jit3A_274, %sub3A_273 : i32
        %min3A_277 = arith.minsi %jit3A_275, %max3A_276 : i32
        %shift_right_logical3A_278 = arith.constant 4 : i32
        %shift_right_logical3A_279 = arith.shrui %min3A_277, %shift_right_logical3A_278 : i32
        %shift_left3A_280 = arith.constant 4 : i32
        %shift_left3A_281 = arith.shli %shift_right_logical3A_279, %shift_left3A_280 : i32
        %and3A_282 = arith.constant 15 : i32
        %and3A_283 = arith.andi %min3A_277, %and3A_282 : i32
        %ge3A_284 = arith.constant 40 : i32
        %ge3A_285 = arith.cmpi sge, %shift_right_logical3A_244, %ge3A_284 : i32
        %lt3A_286 = arith.constant 142 : i32
        %lt3A_287 = arith.cmpi slt, %shift_right_logical3A_244, %lt3A_286 : i32
        %and3A_288 = arith.andi %ge3A_285, %lt3A_287 : i1
        %jit3A_289 = arith.constant 1.000000e+00 : f32
        %jit3A_290 = arith.constant 0.000000e+00 : f32
        %select_n3A_291 = arith.select %and3A_288, %jit3A_289, %jit3A_290 : f32
        %eq3A_292 = vector.broadcast %and3A_283 : i32 to vector<16xi32>
        %eq3A_293 = arith.cmpi eq, %iota3A_102, %eq3A_292 : vector<16xi32>
        %jit3A_294 = arith.constant 0.000000e+00 : f32
        %broadcast_in_dim3A_295 = vector.broadcast %select_n3A_291 : f32 to vector<16xf32>
        %broadcast_in_dim3A_296 = vector.broadcast %jit3A_294 : f32 to vector<16xf32>
        %select_n3A_297 = arith.select %eq3A_293, %broadcast_in_dim3A_295, %broadcast_in_dim3A_296 : vector<16xi1>, vector<16xf32>
        %get3A_298 = arith.index_cast %and3A_242 : i32 to index
        %get3A_299 = arith.index_cast %shift_left3A_281 : i32 to index
        %get3A_300 = tpu.vector_load %arg12[%get3A_298, %get3A_299] {strides = array<i32>} : memref<102x112xf32, #tpu.memory_space<vmem>>, vector<16xf32>,
        %add3A_301 = arith.addf %get3A_300, %select_n3A_297 : vector<16xf32>
        %swap3A_302 = arith.index_cast %and3A_242 : i32 to index
        %swap3A_303 = arith.index_cast %shift_left3A_281 : i32 to index
        %swap3A_304 = tpu.vector_load %arg12[%swap3A_302, %swap3A_303] {strides = array<i32>} : memref<102x112xf32, #tpu.memory_space<vmem>>, vector<16xf32>,
        tpu.vector_store %arg12[%swap3A_302, %swap3A_303], %add3A_301 {strides = array<i32>} : memref<102x112xf32, #tpu.memory_space<vmem>>, vector<16xf32>,
        %while3A_305 = arith.constant 0 : i32
        scf.yield %while3A_305 : i32
      }
      %while3A_231 = arith.constant 1 : i32
      %while3A_232 = scf.for %while3A_234 = %while3A_228 to %while3A_224 step %while3A_231 iter_args(%while3A_235 = %while3A_230) -> (i32)  : i32 {
        %add3A_236 = arith.addi %mul3A_141, %while3A_234 : i32
        %get3A_237 = arith.index_cast %add3A_236 : i32 to index
        %get3A_238 = tpu.vector_load %arg8[%get3A_237] {strides = array<i32>} : memref<10160xi32, #tpu.memory_space<vmem>>, vector<16xi32>,
        %slice3A_239 = vector.extract_strided_slice %get3A_238 {offsets = [0], sizes = [1], strides = [1]} : vector<16xi32> to vector<1xi32>
        %squeeze3A_240 = vector.extract %slice3A_239[0] : i32 from vector<1xi32>
        %and3A_241 = arith.constant 127 : i32
        %and3A_242 = arith.andi %squeeze3A_240, %and3A_241 : i32
        %shift_right_logical3A_243 = arith.constant 7 : i32
        %shift_right_logical3A_244 = arith.shrui %squeeze3A_240, %shift_right_logical3A_243 : i32
        %get3A_245 = arith.index_cast %and3A_242 : i32 to index
        %get3A_246 = arith.constant 0 : index
        %get3A_247 = tpu.vector_load %arg11[%get3A_245, %get3A_246] {strides = array<i32>} : memref<102x48xf32, #tpu.memory_space<vmem>>, vector<16xf32>,
        %get3A_248 = arith.index_cast %while3A_234 : i32 to index
        %get3A_249 = arith.constant 0 : index
        %get3A_250 = tpu.vector_load %arg10[%get3A_248, %get3A_249] {strides = array<i32>} : memref<128x32xf32, #tpu.memory_space<vmem>>, vector<16xf32>,
        %add3A_251 = arith.addf %get3A_247, %get3A_250 : vector<16xf32>
        %swap3A_252 = arith.index_cast %and3A_242 : i32 to index
        %swap3A_253 = arith.constant 0 : index
        %swap3A_254 = tpu.vector_load %arg11[%swap3A_252, %swap3A_253] {strides = array<i32>} : memref<102x48xf32, #tpu.memory_space<vmem>>, vector<16xf32>,
        tpu.vector_store %arg11[%swap3A_252, %swap3A_253], %add3A_251 {strides = array<i32>} : memref<102x48xf32, #tpu.memory_space<vmem>>, vector<16xf32>,
        %get3A_255 = arith.index_cast %and3A_242 : i32 to index
        %get3A_256 = arith.constant 16 : index
        %get3A_257 = tpu.vector_load %arg11[%get3A_255, %get3A_256] {strides = array<i32>} : memref<102x48xf32, #tpu.memory_space<vmem>>, vector<16xf32>,
        %get3A_258 = arith.index_cast %while3A_234 : i32 to index
        %get3A_259 = arith.constant 16 : index
        %get3A_260 = tpu.vector_load %arg10[%get3A_258, %get3A_259] {strides = array<i32>} : memref<128x32xf32, #tpu.memory_space<vmem>>, vector<16xf32>,
        %add3A_261 = arith.addf %get3A_257, %get3A_260 : vector<16xf32>
        %swap3A_262 = arith.index_cast %and3A_242 : i32 to index
        %swap3A_263 = arith.constant 16 : index
        %swap3A_264 = tpu.vector_load %arg11[%swap3A_262, %swap3A_263] {strides = array<i32>} : memref<102x48xf32, #tpu.memory_space<vmem>>, vector<16xf32>,
        tpu.vector_store %arg11[%swap3A_262, %swap3A_263], %add3A_261 {strides = array<i32>} : memref<102x48xf32, #tpu.memory_space<vmem>>, vector<16xf32>,
        %get3A_265 = arith.index_cast %and3A_242 : i32 to index
        %get3A_266 = arith.constant 32 : index
        %get3A_267 = tpu.vector_load %arg11[%get3A_265, %get3A_266] {strides = array<i32>} : memref<102x48xf32, #tpu.memory_space<vmem>>, vector<16xf32>,
        %add3A_268 = arith.addf %get3A_267, %select_n3A_101 : vector<16xf32>
        %swap3A_269 = arith.index_cast %and3A_242 : i32 to index
        %swap3A_270 = arith.constant 32 : index
        %swap3A_271 = tpu.vector_load %arg11[%swap3A_269, %swap3A_270] {strides = array<i32>} : memref<102x48xf32, #tpu.memory_space<vmem>>, vector<16xf32>,
        tpu.vector_store %arg11[%swap3A_269, %swap3A_270], %add3A_268 {strides = array<i32>} : memref<102x48xf32, #tpu.memory_space<vmem>>, vector<16xf32>,
        %sub3A_272 = arith.constant 40 : i32
        %sub3A_273 = arith.subi %shift_right_logical3A_244, %sub3A_272 : i32
        %jit3A_274 = arith.constant 0 : i32
        %jit3A_275 = arith.constant 101 : i32
        %max3A_276 = arith.maxsi %jit3A_274, %sub3A_273 : i32
        %min3A_277 = arith.minsi %jit3A_275, %max3A_276 : i32
        %shift_right_logical3A_278 = arith.constant 4 : i32
        %shift_right_logical3A_279 = arith.shrui %min3A_277, %shift_right_logical3A_278 : i32
        %shift_left3A_280 = arith.constant 4 : i32
        %shift_left3A_281 = arith.shli %shift_right_logical3A_279, %shift_left3A_280 : i32
        %and3A_282 = arith.constant 15 : i32
        %and3A_283 = arith.andi %min3A_277, %and3A_282 : i32
        %ge3A_284 = arith.constant 40 : i32
        %ge3A_285 = arith.cmpi sge, %shift_right_logical3A_244, %ge3A_284 : i32
        %lt3A_286 = arith.constant 142 : i32
        %lt3A_287 = arith.cmpi slt, %shift_right_logical3A_244, %lt3A_286 : i32
        %and3A_288 = arith.andi %ge3A_285, %lt3A_287 : i1
        %jit3A_289 = arith.constant 1.000000e+00 : f32
        %jit3A_290 = arith.constant 0.000000e+00 : f32
        %select_n3A_291 = arith.select %and3A_288, %jit3A_289, %jit3A_290 : f32
        %eq3A_292 = vector.broadcast %and3A_283 : i32 to vector<16xi32>
        %eq3A_293 = arith.cmpi eq, %iota3A_102, %eq3A_292 : vector<16xi32>
        %jit3A_294 = arith.constant 0.000000e+00 : f32
        %broadcast_in_dim3A_295 = vector.broadcast %select_n3A_291 : f32 to vector<16xf32>
        %broadcast_in_dim3A_296 = vector.broadcast %jit3A_294 : f32 to vector<16xf32>
        %select_n3A_297 = arith.select %eq3A_293, %broadcast_in_dim3A_295, %broadcast_in_dim3A_296 : vector<16xi1>, vector<16xf32>
        %get3A_298 = arith.index_cast %and3A_242 : i32 to index
        %get3A_299 = arith.index_cast %shift_left3A_281 : i32 to index
        %get3A_300 = tpu.vector_load %arg12[%get3A_298, %get3A_299] {strides = array<i32>} : memref<102x112xf32, #tpu.memory_space<vmem>>, vector<16xf32>,
        %add3A_301 = arith.addf %get3A_300, %select_n3A_297 : vector<16xf32>
        %swap3A_302 = arith.index_cast %and3A_242 : i32 to index
        %swap3A_303 = arith.index_cast %shift_left3A_281 : i32 to index
        %swap3A_304 = tpu.vector_load %arg12[%swap3A_302, %swap3A_303] {strides = array<i32>} : memref<102x112xf32, #tpu.memory_space<vmem>>, vector<16xf32>,
        tpu.vector_store %arg12[%swap3A_302, %swap3A_303], %add3A_301 {strides = array<i32>} : memref<102x112xf32, #tpu.memory_space<vmem>>, vector<16xf32>,
        %while3A_305 = arith.constant 0 : i32
        scf.yield %while3A_305 : i32
      }
      %while3A_233 = arith.constant 0 : i32
      scf.yield %while3A_233 : i32
    }
    %while3A_136 = arith.constant 1 : i32
    %while3A_137 = scf.for %while3A_138 = %while3A_133 to %while3A_129 step %while3A_136 iter_args(%while3A_139 = %while3A_135) -> (i32)  : i32 {
      %mul3A_140 = arith.constant 128 : i32
      %mul3A_141 = arith.muli %while3A_138, %mul3A_140 : i32
      %add3A_142 = arith.constant 0 : i32
      %add3A_143 = arith.addi %mul3A_141, %add3A_142 : i32
      %get3A_144 = arith.index_cast %add3A_143 : i32 to index
      %get3A_145 = tpu.vector_load %arg8[%get3A_144] {strides = array<i32>} : memref<10160xi32, #tpu.memory_space<vmem>>, vector<16xi32>,
      %shift_right_logical3A = arith.constant 7 : i32
      %shift_right_logical3A_146 = vector.broadcast %shift_right_logical3A : i32 to vector<16xi32>
      %shift_right_logical3A_147 = arith.shrui %get3A_145, %shift_right_logical3A_146 : vector<16xi32>
      %swap3A_148 = arith.constant 0 : index
      %swap3A_149 = tpu.vector_load %arg9[%swap3A_148] {strides = array<i32>} : memref<128xi32, #tpu.memory_space<vmem>>, vector<16xi32>,
      tpu.vector_store %arg9[%swap3A_148], %shift_right_logical3A_147 {strides = array<i32>} : memref<128xi32, #tpu.memory_space<vmem>>, vector<16xi32>,
      %add3A_150 = arith.constant 16 : i32
      %add3A_151 = arith.addi %mul3A_141, %add3A_150 : i32
      %get3A_152 = arith.index_cast %add3A_151 : i32 to index
      %get3A_153 = tpu.vector_load %arg8[%get3A_152] {strides = array<i32>} : memref<10160xi32, #tpu.memory_space<vmem>>, vector<16xi32>,
      %shift_right_logical3A_154 = arith.constant 7 : i32
      %shift_right_logical3A_155 = vector.broadcast %shift_right_logical3A_154 : i32 to vector<16xi32>
      %shift_right_logical3A_156 = arith.shrui %get3A_153, %shift_right_logical3A_155 : vector<16xi32>
      %swap3A_157 = arith.constant 16 : index
      %swap3A_158 = tpu.vector_load %arg9[%swap3A_157] {strides = array<i32>} : memref<128xi32, #tpu.memory_space<vmem>>, vector<16xi32>,
      tpu.vector_store %arg9[%swap3A_157], %shift_right_logical3A_156 {strides = array<i32>} : memref<128xi32, #tpu.memory_space<vmem>>, vector<16xi32>,
      %add3A_159 = arith.constant 32 : i32
      %add3A_160 = arith.addi %mul3A_141, %add3A_159 : i32
      %get3A_161 = arith.index_cast %add3A_160 : i32 to index
      %get3A_162 = tpu.vector_load %arg8[%get3A_161] {strides = array<i32>} : memref<10160xi32, #tpu.memory_space<vmem>>, vector<16xi32>,
      %shift_right_logical3A_163 = arith.constant 7 : i32
      %shift_right_logical3A_164 = vector.broadcast %shift_right_logical3A_163 : i32 to vector<16xi32>
      %shift_right_logical3A_165 = arith.shrui %get3A_162, %shift_right_logical3A_164 : vector<16xi32>
      %swap3A_166 = arith.constant 32 : index
      %swap3A_167 = tpu.vector_load %arg9[%swap3A_166] {strides = array<i32>} : memref<128xi32, #tpu.memory_space<vmem>>, vector<16xi32>,
      tpu.vector_store %arg9[%swap3A_166], %shift_right_logical3A_165 {strides = array<i32>} : memref<128xi32, #tpu.memory_space<vmem>>, vector<16xi32>,
      %add3A_168 = arith.constant 48 : i32
      %add3A_169 = arith.addi %mul3A_141, %add3A_168 : i32
      %get3A_170 = arith.index_cast %add3A_169 : i32 to index
      %get3A_171 = tpu.vector_load %arg8[%get3A_170] {strides = array<i32>} : memref<10160xi32, #tpu.memory_space<vmem>>, vector<16xi32>,
      %shift_right_logical3A_172 = arith.constant 7 : i32
      %shift_right_logical3A_173 = vector.broadcast %shift_right_logical3A_172 : i32 to vector<16xi32>
      %shift_right_logical3A_174 = arith.shrui %get3A_171, %shift_right_logical3A_173 : vector<16xi32>
      %swap3A_175 = arith.constant 48 : index
      %swap3A_176 = tpu.vector_load %arg9[%swap3A_175] {strides = array<i32>} : memref<128xi32, #tpu.memory_space<vmem>>, vector<16xi32>,
      tpu.vector_store %arg9[%swap3A_175], %shift_right_logical3A_174 {strides = array<i32>} : memref<128xi32, #tpu.memory_space<vmem>>, vector<16xi32>,
      %add3A_177 = arith.constant 64 : i32
      %add3A_178 = arith.addi %mul3A_141, %add3A_177 : i32
      %get3A_179 = arith.index_cast %add3A_178 : i32 to index
      %get3A_180 = tpu.vector_load %arg8[%get3A_179] {strides = array<i32>} : memref<10160xi32, #tpu.memory_space<vmem>>, vector<16xi32>,
      %shift_right_logical3A_181 = arith.constant 7 : i32
      %shift_right_logical3A_182 = vector.broadcast %shift_right_logical3A_181 : i32 to vector<16xi32>
      %shift_right_logical3A_183 = arith.shrui %get3A_180, %shift_right_logical3A_182 : vector<16xi32>
      %swap3A_184 = arith.constant 64 : index
      %swap3A_185 = tpu.vector_load %arg9[%swap3A_184] {strides = array<i32>} : memref<128xi32, #tpu.memory_space<vmem>>, vector<16xi32>,
      tpu.vector_store %arg9[%swap3A_184], %shift_right_logical3A_183 {strides = array<i32>} : memref<128xi32, #tpu.memory_space<vmem>>, vector<16xi32>,
      %add3A_186 = arith.constant 80 : i32
      %add3A_187 = arith.addi %mul3A_141, %add3A_186 : i32
      %get3A_188 = arith.index_cast %add3A_187 : i32 to index
      %get3A_189 = tpu.vector_load %arg8[%get3A_188] {strides = array<i32>} : memref<10160xi32, #tpu.memory_space<vmem>>, vector<16xi32>,
      %shift_right_logical3A_190 = arith.constant 7 : i32
      %shift_right_logical3A_191 = vector.broadcast %shift_right_logical3A_190 : i32 to vector<16xi32>
      %shift_right_logical3A_192 = arith.shrui %get3A_189, %shift_right_logical3A_191 : vector<16xi32>
      %swap3A_193 = arith.constant 80 : index
      %swap3A_194 = tpu.vector_load %arg9[%swap3A_193] {strides = array<i32>} : memref<128xi32, #tpu.memory_space<vmem>>, vector<16xi32>,
      tpu.vector_store %arg9[%swap3A_193], %shift_right_logical3A_192 {strides = array<i32>} : memref<128xi32, #tpu.memory_space<vmem>>, vector<16xi32>,
      %add3A_195 = arith.constant 96 : i32
      %add3A_196 = arith.addi %mul3A_141, %add3A_195 : i32
      %get3A_197 = arith.index_cast %add3A_196 : i32 to index
      %get3A_198 = tpu.vector_load %arg8[%get3A_197] {strides = array<i32>} : memref<10160xi32, #tpu.memory_space<vmem>>, vector<16xi32>,
      %shift_right_logical3A_199 = arith.constant 7 : i32
      %shift_right_logical3A_200 = vector.broadcast %shift_right_logical3A_199 : i32 to vector<16xi32>
      %shift_right_logical3A_201 = arith.shrui %get3A_198, %shift_right_logical3A_200 : vector<16xi32>
      %swap3A_202 = arith.constant 96 : index
      %swap3A_203 = tpu.vector_load %arg9[%swap3A_202] {strides = array<i32>} : memref<128xi32, #tpu.memory_space<vmem>>, vector<16xi32>,
      tpu.vector_store %arg9[%swap3A_202], %shift_right_logical3A_201 {strides = array<i32>} : memref<128xi32, #tpu.memory_space<vmem>>, vector<16xi32>,
      %add3A_204 = arith.constant 112 : i32
      %add3A_205 = arith.addi %mul3A_141, %add3A_204 : i32
      %get3A_206 = arith.index_cast %add3A_205 : i32 to index
      %get3A_207 = tpu.vector_load %arg8[%get3A_206] {strides = array<i32>} : memref<10160xi32, #tpu.memory_space<vmem>>, vector<16xi32>,
      %shift_right_logical3A_208 = arith.constant 7 : i32
      %shift_right_logical3A_209 = vector.broadcast %shift_right_logical3A_208 : i32 to vector<16xi32>
      %shift_right_logical3A_210 = arith.shrui %get3A_207, %shift_right_logical3A_209 : vector<16xi32>
      %swap3A_211 = arith.constant 112 : index
      %swap3A_212 = tpu.vector_load %arg9[%swap3A_211] {strides = array<i32>} : memref<128xi32, #tpu.memory_space<vmem>>, vector<16xi32>,
      tpu.vector_store %arg9[%swap3A_211], %shift_right_logical3A_210 {strides = array<i32>} : memref<128xi32, #tpu.memory_space<vmem>>, vector<16xi32>,
      %dma_start3A_213 = arith.constant 0 : i32
      %dma_start3A_214 = arith.constant 0 : i32
      %dma_start3A_215 = tpu.memref_slice %arg2[%dma_start3A_213, %dma_start3A_214] : memref<10000x32xf32, #tpu.memory_space<hbm>> -> memref<10000x32xf32, #tpu.memory_space<hbm>>
      tpu.enqueue_indirect_dma source(%dma_start3A_215 : memref<10000x32xf32, #tpu.memory_space<hbm>>) target(%arg10 : memref<128x32xf32, #tpu.memory_space<vmem>>) offsets(%arg9 : memref<128xi32, #tpu.memory_space<vmem>>) semaphore(%arg13 : memref<!tpu.dma_semaphore, #tpu.memory_space<semaphore_mem>>)
      %dma_wait3A_216 = arith.constant 0 : i32
      %dma_wait3A_217 = arith.constant 0 : i32
      %dma_wait3A_218 = tpu.memref_slice %arg2[%dma_wait3A_216, %dma_wait3A_217] : memref<10000x32xf32, #tpu.memory_space<hbm>> -> memref<10000x32xf32, #tpu.memory_space<hbm>>
      tpu.wait_indirect_dma semaphore(%arg13 : memref<!tpu.dma_semaphore, #tpu.memory_space<semaphore_mem>>) src(%dma_wait3A_218 : memref<10000x32xf32, #tpu.memory_space<hbm>>) dst(%arg10 : memref<128x32xf32, #tpu.memory_space<vmem>>)
      %sub3A_219 = arith.subi %squeeze3A, %mul3A_141 : i32
      %min3A = arith.constant 128 : i32
      %min3A_220 = arith.minsi %min3A, %sub3A_219 : i32
      %while3A_221 = arith.constant 0 : i32
      %while3A_222 = arith.constant 0 : i32
      %while3A_223 = arith.subi %min3A_220, %while3A_221 : i32
      %while3A_224 = arith.addi %while3A_221, %while3A_223 : i32
      %while3A_225 = arith.constant 1 : i32
      %while3A_226 = arith.divsi %while3A_223, %while3A_225 : i32
      %while3A_227 = arith.muli %while3A_226, %while3A_225 : i32
      %while3A_228 = arith.addi %while3A_221, %while3A_227 : i32
      %while3A_229 = arith.constant 1 : i32
      %while3A_230 = scf.for %while3A_234 = %while3A_221 to %while3A_228 step %while3A_229 iter_args(%while3A_235 = %while3A_222) -> (i32)  : i32 {
        %add3A_236 = arith.addi %mul3A_141, %while3A_234 : i32
        %get3A_237 = arith.index_cast %add3A_236 : i32 to index
        %get3A_238 = tpu.vector_load %arg8[%get3A_237] {strides = array<i32>} : memref<10160xi32, #tpu.memory_space<vmem>>, vector<16xi32>,
        %slice3A_239 = vector.extract_strided_slice %get3A_238 {offsets = [0], sizes = [1], strides = [1]} : vector<16xi32> to vector<1xi32>
        %squeeze3A_240 = vector.extract %slice3A_239[0] : i32 from vector<1xi32>
        %and3A_241 = arith.constant 127 : i32
        %and3A_242 = arith.andi %squeeze3A_240, %and3A_241 : i32
        %shift_right_logical3A_243 = arith.constant 7 : i32
        %shift_right_logical3A_244 = arith.shrui %squeeze3A_240, %shift_right_logical3A_243 : i32
        %get3A_245 = arith.index_cast %and3A_242 : i32 to index
        %get3A_246 = arith.constant 0 : index
        %get3A_247 = tpu.vector_load %arg11[%get3A_245, %get3A_246] {strides = array<i32>} : memref<102x48xf32, #tpu.memory_space<vmem>>, vector<16xf32>,
        %get3A_248 = arith.index_cast %while3A_234 : i32 to index
        %get3A_249 = arith.constant 0 : index
        %get3A_250 = tpu.vector_load %arg10[%get3A_248, %get3A_249] {strides = array<i32>} : memref<128x32xf32, #tpu.memory_space<vmem>>, vector<16xf32>,
        %add3A_251 = arith.addf %get3A_247, %get3A_250 : vector<16xf32>
        %swap3A_252 = arith.index_cast %and3A_242 : i32 to index
        %swap3A_253 = arith.constant 0 : index
        %swap3A_254 = tpu.vector_load %arg11[%swap3A_252, %swap3A_253] {strides = array<i32>} : memref<102x48xf32, #tpu.memory_space<vmem>>, vector<16xf32>,
        tpu.vector_store %arg11[%swap3A_252, %swap3A_253], %add3A_251 {strides = array<i32>} : memref<102x48xf32, #tpu.memory_space<vmem>>, vector<16xf32>,
        %get3A_255 = arith.index_cast %and3A_242 : i32 to index
        %get3A_256 = arith.constant 16 : index
        %get3A_257 = tpu.vector_load %arg11[%get3A_255, %get3A_256] {strides = array<i32>} : memref<102x48xf32, #tpu.memory_space<vmem>>, vector<16xf32>,
        %get3A_258 = arith.index_cast %while3A_234 : i32 to index
        %get3A_259 = arith.constant 16 : index
        %get3A_260 = tpu.vector_load %arg10[%get3A_258, %get3A_259] {strides = array<i32>} : memref<128x32xf32, #tpu.memory_space<vmem>>, vector<16xf32>,
        %add3A_261 = arith.addf %get3A_257, %get3A_260 : vector<16xf32>
        %swap3A_262 = arith.index_cast %and3A_242 : i32 to index
        %swap3A_263 = arith.constant 16 : index
        %swap3A_264 = tpu.vector_load %arg11[%swap3A_262, %swap3A_263] {strides = array<i32>} : memref<102x48xf32, #tpu.memory_space<vmem>>, vector<16xf32>,
        tpu.vector_store %arg11[%swap3A_262, %swap3A_263], %add3A_261 {strides = array<i32>} : memref<102x48xf32, #tpu.memory_space<vmem>>, vector<16xf32>,
        %get3A_265 = arith.index_cast %and3A_242 : i32 to index
        %get3A_266 = arith.constant 32 : index
        %get3A_267 = tpu.vector_load %arg11[%get3A_265, %get3A_266] {strides = array<i32>} : memref<102x48xf32, #tpu.memory_space<vmem>>, vector<16xf32>,
        %add3A_268 = arith.addf %get3A_267, %select_n3A_101 : vector<16xf32>
        %swap3A_269 = arith.index_cast %and3A_242 : i32 to index
        %swap3A_270 = arith.constant 32 : index
        %swap3A_271 = tpu.vector_load %arg11[%swap3A_269, %swap3A_270] {strides = array<i32>} : memref<102x48xf32, #tpu.memory_space<vmem>>, vector<16xf32>,
        tpu.vector_store %arg11[%swap3A_269, %swap3A_270], %add3A_268 {strides = array<i32>} : memref<102x48xf32, #tpu.memory_space<vmem>>, vector<16xf32>,
        %sub3A_272 = arith.constant 40 : i32
        %sub3A_273 = arith.subi %shift_right_logical3A_244, %sub3A_272 : i32
        %jit3A_274 = arith.constant 0 : i32
        %jit3A_275 = arith.constant 101 : i32
        %max3A_276 = arith.maxsi %jit3A_274, %sub3A_273 : i32
        %min3A_277 = arith.minsi %jit3A_275, %max3A_276 : i32
        %shift_right_logical3A_278 = arith.constant 4 : i32
        %shift_right_logical3A_279 = arith.shrui %min3A_277, %shift_right_logical3A_278 : i32
        %shift_left3A_280 = arith.constant 4 : i32
        %shift_left3A_281 = arith.shli %shift_right_logical3A_279, %shift_left3A_280 : i32
        %and3A_282 = arith.constant 15 : i32
        %and3A_283 = arith.andi %min3A_277, %and3A_282 : i32
        %ge3A_284 = arith.constant 40 : i32
        %ge3A_285 = arith.cmpi sge, %shift_right_logical3A_244, %ge3A_284 : i32
        %lt3A_286 = arith.constant 142 : i32
        %lt3A_287 = arith.cmpi slt, %shift_right_logical3A_244, %lt3A_286 : i32
        %and3A_288 = arith.andi %ge3A_285, %lt3A_287 : i1
        %jit3A_289 = arith.constant 1.000000e+00 : f32
        %jit3A_290 = arith.constant 0.000000e+00 : f32
        %select_n3A_291 = arith.select %and3A_288, %jit3A_289, %jit3A_290 : f32
        %eq3A_292 = vector.broadcast %and3A_283 : i32 to vector<16xi32>
        %eq3A_293 = arith.cmpi eq, %iota3A_102, %eq3A_292 : vector<16xi32>
        %jit3A_294 = arith.constant 0.000000e+00 : f32
        %broadcast_in_dim3A_295 = vector.broadcast %select_n3A_291 : f32 to vector<16xf32>
        %broadcast_in_dim3A_296 = vector.broadcast %jit3A_294 : f32 to vector<16xf32>
        %select_n3A_297 = arith.select %eq3A_293, %broadcast_in_dim3A_295, %broadcast_in_dim3A_296 : vector<16xi1>, vector<16xf32>
        %get3A_298 = arith.index_cast %and3A_242 : i32 to index
        %get3A_299 = arith.index_cast %shift_left3A_281 : i32 to index
        %get3A_300 = tpu.vector_load %arg12[%get3A_298, %get3A_299] {strides = array<i32>} : memref<102x112xf32, #tpu.memory_space<vmem>>, vector<16xf32>,
        %add3A_301 = arith.addf %get3A_300, %select_n3A_297 : vector<16xf32>
        %swap3A_302 = arith.index_cast %and3A_242 : i32 to index
        %swap3A_303 = arith.index_cast %shift_left3A_281 : i32 to index
        %swap3A_304 = tpu.vector_load %arg12[%swap3A_302, %swap3A_303] {strides = array<i32>} : memref<102x112xf32, #tpu.memory_space<vmem>>, vector<16xf32>,
        tpu.vector_store %arg12[%swap3A_302, %swap3A_303], %add3A_301 {strides = array<i32>} : memref<102x112xf32, #tpu.memory_space<vmem>>, vector<16xf32>,
        %while3A_305 = arith.constant 0 : i32
        scf.yield %while3A_305 : i32
      }
      %while3A_231 = arith.constant 1 : i32
      %while3A_232 = scf.for %while3A_234 = %while3A_228 to %while3A_224 step %while3A_231 iter_args(%while3A_235 = %while3A_230) -> (i32)  : i32 {
        %add3A_236 = arith.addi %mul3A_141, %while3A_234 : i32
        %get3A_237 = arith.index_cast %add3A_236 : i32 to index
        %get3A_238 = tpu.vector_load %arg8[%get3A_237] {strides = array<i32>} : memref<10160xi32, #tpu.memory_space<vmem>>, vector<16xi32>,
        %slice3A_239 = vector.extract_strided_slice %get3A_238 {offsets = [0], sizes = [1], strides = [1]} : vector<16xi32> to vector<1xi32>
        %squeeze3A_240 = vector.extract %slice3A_239[0] : i32 from vector<1xi32>
        %and3A_241 = arith.constant 127 : i32
        %and3A_242 = arith.andi %squeeze3A_240, %and3A_241 : i32
        %shift_right_logical3A_243 = arith.constant 7 : i32
        %shift_right_logical3A_244 = arith.shrui %squeeze3A_240, %shift_right_logical3A_243 : i32
        %get3A_245 = arith.index_cast %and3A_242 : i32 to index
        %get3A_246 = arith.constant 0 : index
        %get3A_247 = tpu.vector_load %arg11[%get3A_245, %get3A_246] {strides = array<i32>} : memref<102x48xf32, #tpu.memory_space<vmem>>, vector<16xf32>,
        %get3A_248 = arith.index_cast %while3A_234 : i32 to index
        %get3A_249 = arith.constant 0 : index
        %get3A_250 = tpu.vector_load %arg10[%get3A_248, %get3A_249] {strides = array<i32>} : memref<128x32xf32, #tpu.memory_space<vmem>>, vector<16xf32>,
        %add3A_251 = arith.addf %get3A_247, %get3A_250 : vector<16xf32>
        %swap3A_252 = arith.index_cast %and3A_242 : i32 to index
        %swap3A_253 = arith.constant 0 : index
        %swap3A_254 = tpu.vector_load %arg11[%swap3A_252, %swap3A_253] {strides = array<i32>} : memref<102x48xf32, #tpu.memory_space<vmem>>, vector<16xf32>,
        tpu.vector_store %arg11[%swap3A_252, %swap3A_253], %add3A_251 {strides = array<i32>} : memref<102x48xf32, #tpu.memory_space<vmem>>, vector<16xf32>,
        %get3A_255 = arith.index_cast %and3A_242 : i32 to index
        %get3A_256 = arith.constant 16 : index
        %get3A_257 = tpu.vector_load %arg11[%get3A_255, %get3A_256] {strides = array<i32>} : memref<102x48xf32, #tpu.memory_space<vmem>>, vector<16xf32>,
        %get3A_258 = arith.index_cast %while3A_234 : i32 to index
        %get3A_259 = arith.constant 16 : index
        %get3A_260 = tpu.vector_load %arg10[%get3A_258, %get3A_259] {strides = array<i32>} : memref<128x32xf32, #tpu.memory_space<vmem>>, vector<16xf32>,
        %add3A_261 = arith.addf %get3A_257, %get3A_260 : vector<16xf32>
        %swap3A_262 = arith.index_cast %and3A_242 : i32 to index
        %swap3A_263 = arith.constant 16 : index
        %swap3A_264 = tpu.vector_load %arg11[%swap3A_262, %swap3A_263] {strides = array<i32>} : memref<102x48xf32, #tpu.memory_space<vmem>>, vector<16xf32>,
        tpu.vector_store %arg11[%swap3A_262, %swap3A_263], %add3A_261 {strides = array<i32>} : memref<102x48xf32, #tpu.memory_space<vmem>>, vector<16xf32>,
        %get3A_265 = arith.index_cast %and3A_242 : i32 to index
        %get3A_266 = arith.constant 32 : index
        %get3A_267 = tpu.vector_load %arg11[%get3A_265, %get3A_266] {strides = array<i32>} : memref<102x48xf32, #tpu.memory_space<vmem>>, vector<16xf32>,
        %add3A_268 = arith.addf %get3A_267, %select_n3A_101 : vector<16xf32>
        %swap3A_269 = arith.index_cast %and3A_242 : i32 to index
        %swap3A_270 = arith.constant 32 : index
        %swap3A_271 = tpu.vector_load %arg11[%swap3A_269, %swap3A_270] {strides = array<i32>} : memref<102x48xf32, #tpu.memory_space<vmem>>, vector<16xf32>,
        tpu.vector_store %arg11[%swap3A_269, %swap3A_270], %add3A_268 {strides = array<i32>} : memref<102x48xf32, #tpu.memory_space<vmem>>, vector<16xf32>,
        %sub3A_272 = arith.constant 40 : i32
        %sub3A_273 = arith.subi %shift_right_logical3A_244, %sub3A_272 : i32
        %jit3A_274 = arith.constant 0 : i32
        %jit3A_275 = arith.constant 101 : i32
        %max3A_276 = arith.maxsi %jit3A_274, %sub3A_273 : i32
        %min3A_277 = arith.minsi %jit3A_275, %max3A_276 : i32
        %shift_right_logical3A_278 = arith.constant 4 : i32
        %shift_right_logical3A_279 = arith.shrui %min3A_277, %shift_right_logical3A_278 : i32
        %shift_left3A_280 = arith.constant 4 : i32
        %shift_left3A_281 = arith.shli %shift_right_logical3A_279, %shift_left3A_280 : i32
        %and3A_282 = arith.constant 15 : i32
        %and3A_283 = arith.andi %min3A_277, %and3A_282 : i32
        %ge3A_284 = arith.constant 40 : i32
        %ge3A_285 = arith.cmpi sge, %shift_right_logical3A_244, %ge3A_284 : i32
        %lt3A_286 = arith.constant 142 : i32
        %lt3A_287 = arith.cmpi slt, %shift_right_logical3A_244, %lt3A_286 : i32
        %and3A_288 = arith.andi %ge3A_285, %lt3A_287 : i1
        %jit3A_289 = arith.constant 1.000000e+00 : f32
        %jit3A_290 = arith.constant 0.000000e+00 : f32
        %select_n3A_291 = arith.select %and3A_288, %jit3A_289, %jit3A_290 : f32
        %eq3A_292 = vector.broadcast %and3A_283 : i32 to vector<16xi32>
        %eq3A_293 = arith.cmpi eq, %iota3A_102, %eq3A_292 : vector<16xi32>
        %jit3A_294 = arith.constant 0.000000e+00 : f32
        %broadcast_in_dim3A_295 = vector.broadcast %select_n3A_291 : f32 to vector<16xf32>
        %broadcast_in_dim3A_296 = vector.broadcast %jit3A_294 : f32 to vector<16xf32>
        %select_n3A_297 = arith.select %eq3A_293, %broadcast_in_dim3A_295, %broadcast_in_dim3A_296 : vector<16xi1>, vector<16xf32>
        %get3A_298 = arith.index_cast %and3A_242 : i32 to index
        %get3A_299 = arith.index_cast %shift_left3A_281 : i32 to index
        %get3A_300 = tpu.vector_load %arg12[%get3A_298, %get3A_299] {strides = array<i32>} : memref<102x112xf32, #tpu.memory_space<vmem>>, vector<16xf32>,
        %add3A_301 = arith.addf %get3A_300, %select_n3A_297 : vector<16xf32>
        %swap3A_302 = arith.index_cast %and3A_242 : i32 to index
        %swap3A_303 = arith.index_cast %shift_left3A_281 : i32 to index
        %swap3A_304 = tpu.vector_load %arg12[%swap3A_302, %swap3A_303] {strides = array<i32>} : memref<102x112xf32, #tpu.memory_space<vmem>>, vector<16xf32>,
        tpu.vector_store %arg12[%swap3A_302, %swap3A_303], %add3A_301 {strides = array<i32>} : memref<102x112xf32, #tpu.memory_space<vmem>>, vector<16xf32>,
        %while3A_305 = arith.constant 0 : i32
        scf.yield %while3A_305 : i32
      }
      %while3A_233 = arith.constant 0 : i32
      scf.yield %while3A_233 : i32
    }
    "tpu.region"() ({
      %run_scoped3A = tpu.sem_alloc : memref<!tpu.dma_semaphore, #tpu.memory_space<semaphore_mem>>
      %dma_start3A_138 = arith.constant 0 : i32
      %dma_start3A_139 = arith.constant 0 : i32
      %dma_start3A_140 = tpu.memref_slice %arg4[%add3A, %dma_start3A_138, %dma_start3A_139] : memref<32x102x48xf32, #tpu.memory_space<hbm>> -> memref<1x102x48xf32, #tpu.memory_space<hbm>>
      %dma_start3A_141 = tpu.memref_squeeze %dma_start3A_140 : memref<1x102x48xf32, #tpu.memory_space<hbm>> -> memref<102x48xf32, #tpu.memory_space<hbm>>
      %dma_start3A_142 = arith.constant 0 : i32
      %dma_start3A_143 = arith.constant 0 : i32
      %dma_start3A_144 = tpu.memref_slice %arg4[%add3A, %dma_start3A_142, %dma_start3A_143] : memref<32x102x48xf32, #tpu.memory_space<hbm>> -> memref<1x102x48xf32, #tpu.memory_space<hbm>>
      %dma_start3A_145 = tpu.memref_squeeze %dma_start3A_144 : memref<1x102x48xf32, #tpu.memory_space<hbm>> -> memref<102x48xf32, #tpu.memory_space<hbm>>
      tpu.enqueue_dma source(%arg11 : memref<102x48xf32, #tpu.memory_space<vmem>>) target(%dma_start3A_145 : memref<102x48xf32, #tpu.memory_space<hbm>>) target_semaphore(%run_scoped3A : memref<!tpu.dma_semaphore, #tpu.memory_space<semaphore_mem>>)
      %dma_wait3A_146 = arith.constant 0 : i32
      %dma_wait3A_147 = arith.constant 0 : i32
      %dma_wait3A_148 = tpu.memref_slice %arg4[%add3A, %dma_wait3A_146, %dma_wait3A_147] : memref<32x102x48xf32, #tpu.memory_space<hbm>> -> memref<1x102x48xf32, #tpu.memory_space<hbm>>
      %dma_wait3A_149 = tpu.memref_squeeze %dma_wait3A_148 : memref<1x102x48xf32, #tpu.memory_space<hbm>> -> memref<102x48xf32, #tpu.memory_space<hbm>>
      %dma_wait3A_150 = arith.constant 0 : i32
      %dma_wait3A_151 = arith.constant 0 : i32
      %dma_wait3A_152 = tpu.memref_slice %arg4[%add3A, %dma_wait3A_150, %dma_wait3A_151] : memref<32x102x48xf32, #tpu.memory_space<hbm>> -> memref<1x102x48xf32, #tpu.memory_space<hbm>>
      %dma_wait3A_153 = tpu.memref_squeeze %dma_wait3A_152 : memref<1x102x48xf32, #tpu.memory_space<hbm>> -> memref<102x48xf32, #tpu.memory_space<hbm>>
      tpu.wait_dma2 semaphore(%run_scoped3A : memref<!tpu.dma_semaphore, #tpu.memory_space<semaphore_mem>>) src(%arg11 : memref<102x48xf32, #tpu.memory_space<vmem>>) dst(%dma_wait3A_153 : memref<102x48xf32, #tpu.memory_space<hbm>>)
      tpu.yield
    }) : () -> ()
    "tpu.region"() ({
      %run_scoped3A = tpu.sem_alloc : memref<!tpu.dma_semaphore, #tpu.memory_space<semaphore_mem>>
      %dma_start3A_138 = arith.constant 0 : i32
      %dma_start3A_139 = arith.constant 0 : i32
      %dma_start3A_140 = tpu.memref_slice %arg5[%add3A, %dma_start3A_138, %dma_start3A_139] : memref<32x102x112xf32, #tpu.memory_space<hbm>> -> memref<1x102x112xf32, #tpu.memory_space<hbm>>
      %dma_start3A_141 = tpu.memref_squeeze %dma_start3A_140 : memref<1x102x112xf32, #tpu.memory_space<hbm>> -> memref<102x112xf32, #tpu.memory_space<hbm>>
      %dma_start3A_142 = arith.constant 0 : i32
      %dma_start3A_143 = arith.constant 0 : i32
      %dma_start3A_144 = tpu.memref_slice %arg5[%add3A, %dma_start3A_142, %dma_start3A_143] : memref<32x102x112xf32, #tpu.memory_space<hbm>> -> memref<1x102x112xf32, #tpu.memory_space<hbm>>
      %dma_start3A_145 = tpu.memref_squeeze %dma_start3A_144 : memref<1x102x112xf32, #tpu.memory_space<hbm>> -> memref<102x112xf32, #tpu.memory_space<hbm>>
      tpu.enqueue_dma source(%arg12 : memref<102x112xf32, #tpu.memory_space<vmem>>) target(%dma_start3A_145 : memref<102x112xf32, #tpu.memory_space<hbm>>) target_semaphore(%run_scoped3A : memref<!tpu.dma_semaphore, #tpu.memory_space<semaphore_mem>>)
      %dma_wait3A_146 = arith.constant 0 : i32
      %dma_wait3A_147 = arith.constant 0 : i32
      %dma_wait3A_148 = tpu.memref_slice %arg5[%add3A, %dma_wait3A_146, %dma_wait3A_147] : memref<32x102x112xf32, #tpu.memory_space<hbm>> -> memref<1x102x112xf32, #tpu.memory_space<hbm>>
      %dma_wait3A_149 = tpu.memref_squeeze %dma_wait3A_148 : memref<1x102x112xf32, #tpu.memory_space<hbm>> -> memref<102x112xf32, #tpu.memory_space<hbm>>
      %dma_wait3A_150 = arith.constant 0 : i32
      %dma_wait3A_151 = arith.constant 0 : i32
      %dma_wait3A_152 = tpu.memref_slice %arg5[%add3A, %dma_wait3A_150, %dma_wait3A_151] : memref<32x102x112xf32, #tpu.memory_space<hbm>> -> memref<1x102x112xf32, #tpu.memory_space<hbm>>
      %dma_wait3A_153 = tpu.memref_squeeze %dma_wait3A_152 : memref<1x102x112xf32, #tpu.memory_space<hbm>> -> memref<102x112xf32, #tpu.memory_space<hbm>>
      tpu.wait_dma2 semaphore(%run_scoped3A : memref<!tpu.dma_semaphore, #tpu.memory_space<semaphore_mem>>) src(%arg12 : memref<102x112xf32, #tpu.memory_space<vmem>>) dst(%dma_wait3A_153 : memref<102x112xf32, #tpu.memory_space<hbm>>)
      tpu.yield
    }) : () -> ()
    return
  }
}

module attributes {stable_mosaic.version = 14 : i64} {
  func.func @_tc_body(%arg0: memref<32x102x48xf32, #tpu.memory_space<vmem>>, %arg1: memref<32x102x112xf32, #tpu.memory_space<vmem>>, %arg2: memref<142x32xf32, #tpu.memory_space<vmem>>, %arg3: memref<32x32xf32, #tpu.memory_space<vmem>>, %arg4: memref<32x32xf32, #tpu.memory_space<vmem>>, %arg5: memref<32x32xf32, #tpu.memory_space<vmem>>, %arg6: memref<32x32xf32, #tpu.memory_space<vmem>>, %arg7: memref<32x32xf32, #tpu.memory_space<vmem>>, %arg8: memref<32x32xf32, #tpu.memory_space<vmem>>, %arg9: memref<3x32xf32, #tpu.memory_space<vmem>>, %arg10: memref<256x2528xf32, #tpu.memory_space<vmem>>, %arg11: memref<3x256xf32, #tpu.memory_space<vmem>>, %arg12: memref<1x1xf32, #tpu.memory_space<vmem>>, %arg13: memref<5x256xf32, #tpu.memory_space<vmem>>, %arg14: memref<1x5xf32, #tpu.memory_space<vmem>>, %arg15: memref<1x5xf32, #tpu.memory_space<vmem>>, %arg16: memref<1x2528xf32, #tpu.memory_space<vmem>>) attributes {dimension_semantics = [], scalar_prefetch = 0 : i64, scratch_operands = 1 : i64, tpu.core_type = #tpu.core_type<tc>} {
    %get3A = arith.constant 0 : index
    %get3A_0 = arith.constant 0 : index
    %get3A_1 = arith.constant 0 : index
    %get3A_2 = vector.load %arg0[%get3A, %get3A_0, %get3A_1] : memref<32x102x48xf32, #tpu.memory_space<vmem>>, vector<32x102x48xf32>
    %reduce_sum3A = arith.constant dense<0.000000e+00> : vector<102x48xf32>
    %reduce_sum3A_3 = vector.multi_reduction <add>, %get3A_2, %reduce_sum3A [0] : vector<32x102x48xf32> to vector<102x48xf32>
    %slice3A = vector.extract_strided_slice %reduce_sum3A_3 {offsets = [0, 0], sizes = [102, 32], strides = [1, 1]} : vector<102x48xf32> to vector<102x32xf32>
    %slice3A_4 = vector.extract_strided_slice %reduce_sum3A_3 {offsets = [0, 32], sizes = [102, 1], strides = [1, 1]} : vector<102x48xf32> to vector<102x1xf32>
    %max3A = arith.constant 1.000000e+00 : f32
    %max3A_5 = vector.broadcast %max3A : f32 to vector<102x1xf32>
    %max3A_6 = arith.maximumf %slice3A_4, %max3A_5 : vector<102x1xf32>
    %get3A_7 = arith.constant 0 : index
    %get3A_8 = arith.constant 0 : index
    %get3A_9 = arith.constant 0 : index
    %get3A_10 = vector.load %arg1[%get3A_7, %get3A_8, %get3A_9] : memref<32x102x112xf32, #tpu.memory_space<vmem>>, vector<32x102x112xf32>
    %reduce_sum3A_11 = arith.constant dense<0.000000e+00> : vector<102x112xf32>
    %reduce_sum3A_12 = vector.multi_reduction <add>, %get3A_10, %reduce_sum3A_11 [0] : vector<32x102x112xf32> to vector<102x112xf32>
    %slice3A_13 = vector.extract_strided_slice %reduce_sum3A_12 {offsets = [0, 0], sizes = [102, 102], strides = [1, 1]} : vector<102x112xf32> to vector<102x102xf32>
    %get3A_14 = arith.constant 0 : index
    %get3A_15 = arith.constant 0 : index
    %get3A_16 = vector.load %arg2[%get3A_14, %get3A_15] : memref<142x32xf32, #tpu.memory_space<vmem>>, vector<142x32xf32>
    %slice3A_17 = vector.extract_strided_slice %slice3A {offsets = [0, 0], sizes = [44, 32], strides = [1, 1]} : vector<102x32xf32> to vector<44x32xf32>
    %slice3A_18 = vector.extract_strided_slice %max3A_6 {offsets = [0, 0], sizes = [44, 1], strides = [1, 1]} : vector<102x1xf32> to vector<44x1xf32>
    %div3A = vector.broadcast %slice3A_18 : vector<44x1xf32> to vector<44x32xf32>
    %div3A_19 = arith.divf %slice3A_17, %div3A : vector<44x32xf32>
    %get3A_20 = arith.constant 0 : index
    %get3A_21 = arith.constant 0 : index
    %get3A_22 = vector.load %arg3[%get3A_20, %get3A_21] : memref<32x32xf32, #tpu.memory_space<vmem>>, vector<32x32xf32>
    %dot_general3A = arith.constant dense<0.000000e+00> : vector<44x32xf32>
    %dot_general3A_23 = tpu.matmul %div3A_19, %get3A_22, %dot_general3A {dimension_numbers = #tpu.dot_dimension_numbers<[1], [1], [0], [0], [0, 0, 1, 0], [], []>, transpose_lhs_hint = false} : vector<44x32xf32>, vector<32x32xf32>, vector<44x32xf32> -> vector<44x32xf32>
    %get3A_24 = arith.constant 0 : index
    %get3A_25 = arith.constant 0 : index
    %get3A_26 = vector.load %arg9[%get3A_24, %get3A_25] : memref<3x32xf32, #tpu.memory_space<vmem>>, vector<1x32xf32>
    %add3A = vector.broadcast %get3A_26 : vector<1x32xf32> to vector<44x32xf32>
    %add3A_27 = arith.addf %dot_general3A_23, %add3A : vector<44x32xf32>
    %slice3A_28 = vector.extract_strided_slice %get3A_16 {offsets = [40, 0], sizes = [44, 32], strides = [1, 1]} : vector<142x32xf32> to vector<44x32xf32>
    %get3A_29 = arith.constant 0 : index
    %get3A_30 = arith.constant 0 : index
    %get3A_31 = vector.load %arg4[%get3A_29, %get3A_30] : memref<32x32xf32, #tpu.memory_space<vmem>>, vector<32x32xf32>
    %dot_general3A_32 = arith.constant dense<0.000000e+00> : vector<44x32xf32>
    %dot_general3A_33 = tpu.matmul %slice3A_28, %get3A_31, %dot_general3A_32 {dimension_numbers = #tpu.dot_dimension_numbers<[1], [1], [0], [0], [0, 0, 1, 0], [], []>, transpose_lhs_hint = false} : vector<44x32xf32>, vector<32x32xf32>, vector<44x32xf32> -> vector<44x32xf32>
    %add3A_34 = arith.addf %add3A_27, %dot_general3A_33 : vector<44x32xf32>
    %max3A_35 = arith.constant 0.000000e+00 : f32
    %max3A_36 = vector.broadcast %max3A_35 : f32 to vector<44x32xf32>
    %max3A_37 = arith.maximumf %add3A_34, %max3A_36 : vector<44x32xf32>
    %slice3A_38 = vector.extract_strided_slice %get3A_16 {offsets = [40, 0], sizes = [44, 32], strides = [1, 1]} : vector<142x32xf32> to vector<44x32xf32>
    %sub3A = arith.subf %max3A_37, %slice3A_38 : vector<44x32xf32>
    %slice3A_39 = vector.extract_strided_slice %slice3A {offsets = [44, 0], sizes = [28, 32], strides = [1, 1]} : vector<102x32xf32> to vector<28x32xf32>
    %slice3A_40 = vector.extract_strided_slice %slice3A_13 {offsets = [44, 0], sizes = [28, 44], strides = [1, 1]} : vector<102x102xf32> to vector<28x44xf32>
    %dot_general3A_41 = arith.constant dense<0.000000e+00> : vector<28x32xf32>
    %dot_general3A_42 = tpu.matmul %slice3A_40, %sub3A, %dot_general3A_41 {dimension_numbers = #tpu.dot_dimension_numbers<[1], [0], [0], [1], [0, 0, 1, 1], [], []>, transpose_lhs_hint = false} : vector<28x44xf32>, vector<44x32xf32>, vector<28x32xf32> -> vector<28x32xf32>
    %add3A_43 = arith.addf %slice3A_39, %dot_general3A_42 : vector<28x32xf32>
    %slice3A_44 = vector.extract_strided_slice %max3A_6 {offsets = [44, 0], sizes = [28, 1], strides = [1, 1]} : vector<102x1xf32> to vector<28x1xf32>
    %div3A_45 = vector.broadcast %slice3A_44 : vector<28x1xf32> to vector<28x32xf32>
    %div3A_46 = arith.divf %add3A_43, %div3A_45 : vector<28x32xf32>
    %get3A_47 = arith.constant 0 : index
    %get3A_48 = arith.constant 0 : index
    %get3A_49 = vector.load %arg5[%get3A_47, %get3A_48] : memref<32x32xf32, #tpu.memory_space<vmem>>, vector<32x32xf32>
    %dot_general3A_50 = arith.constant dense<0.000000e+00> : vector<28x32xf32>
    %dot_general3A_51 = tpu.matmul %div3A_46, %get3A_49, %dot_general3A_50 {dimension_numbers = #tpu.dot_dimension_numbers<[1], [1], [0], [0], [0, 0, 1, 0], [], []>, transpose_lhs_hint = false} : vector<28x32xf32>, vector<32x32xf32>, vector<28x32xf32> -> vector<28x32xf32>
    %get3A_52 = arith.constant 1 : index
    %get3A_53 = arith.constant 0 : index
    %get3A_54 = vector.load %arg9[%get3A_52, %get3A_53] : memref<3x32xf32, #tpu.memory_space<vmem>>, vector<1x32xf32>
    %add3A_55 = vector.broadcast %get3A_54 : vector<1x32xf32> to vector<28x32xf32>
    %add3A_56 = arith.addf %dot_general3A_51, %add3A_55 : vector<28x32xf32>
    %slice3A_57 = vector.extract_strided_slice %get3A_16 {offsets = [84, 0], sizes = [28, 32], strides = [1, 1]} : vector<142x32xf32> to vector<28x32xf32>
    %get3A_58 = arith.constant 0 : index
    %get3A_59 = arith.constant 0 : index
    %get3A_60 = vector.load %arg6[%get3A_58, %get3A_59] : memref<32x32xf32, #tpu.memory_space<vmem>>, vector<32x32xf32>
    %dot_general3A_61 = arith.constant dense<0.000000e+00> : vector<28x32xf32>
    %dot_general3A_62 = tpu.matmul %slice3A_57, %get3A_60, %dot_general3A_61 {dimension_numbers = #tpu.dot_dimension_numbers<[1], [1], [0], [0], [0, 0, 1, 0], [], []>, transpose_lhs_hint = false} : vector<28x32xf32>, vector<32x32xf32>, vector<28x32xf32> -> vector<28x32xf32>
    %add3A_63 = arith.addf %add3A_56, %dot_general3A_62 : vector<28x32xf32>
    %max3A_64 = arith.constant 0.000000e+00 : f32
    %max3A_65 = vector.broadcast %max3A_64 : f32 to vector<28x32xf32>
    %max3A_66 = arith.maximumf %add3A_63, %max3A_65 : vector<28x32xf32>
    %slice3A_67 = vector.extract_strided_slice %get3A_16 {offsets = [84, 0], sizes = [28, 32], strides = [1, 1]} : vector<142x32xf32> to vector<28x32xf32>
    %sub3A_68 = arith.subf %max3A_66, %slice3A_67 : vector<28x32xf32>
    %slice3A_69 = vector.extract_strided_slice %slice3A {offsets = [72, 0], sizes = [30, 32], strides = [1, 1]} : vector<102x32xf32> to vector<30x32xf32>
    %slice3A_70 = vector.extract_strided_slice %slice3A_13 {offsets = [72, 0], sizes = [30, 44], strides = [1, 1]} : vector<102x102xf32> to vector<30x44xf32>
    %dot_general3A_71 = arith.constant dense<0.000000e+00> : vector<30x32xf32>
    %dot_general3A_72 = tpu.matmul %slice3A_70, %sub3A, %dot_general3A_71 {dimension_numbers = #tpu.dot_dimension_numbers<[1], [0], [0], [1], [0, 0, 1, 1], [], []>, transpose_lhs_hint = false} : vector<30x44xf32>, vector<44x32xf32>, vector<30x32xf32> -> vector<30x32xf32>
    %add3A_73 = arith.addf %slice3A_69, %dot_general3A_72 : vector<30x32xf32>
    %slice3A_74 = vector.extract_strided_slice %slice3A_13 {offsets = [72, 44], sizes = [30, 28], strides = [1, 1]} : vector<102x102xf32> to vector<30x28xf32>
    %dot_general3A_75 = arith.constant dense<0.000000e+00> : vector<30x32xf32>
    %dot_general3A_76 = tpu.matmul %slice3A_74, %sub3A_68, %dot_general3A_75 {dimension_numbers = #tpu.dot_dimension_numbers<[1], [0], [0], [1], [0, 0, 1, 1], [], []>, transpose_lhs_hint = false} : vector<30x28xf32>, vector<28x32xf32>, vector<30x32xf32> -> vector<30x32xf32>
    %add3A_77 = arith.addf %add3A_73, %dot_general3A_76 : vector<30x32xf32>
    %slice3A_78 = vector.extract_strided_slice %max3A_6 {offsets = [72, 0], sizes = [30, 1], strides = [1, 1]} : vector<102x1xf32> to vector<30x1xf32>
    %div3A_79 = vector.broadcast %slice3A_78 : vector<30x1xf32> to vector<30x32xf32>
    %div3A_80 = arith.divf %add3A_77, %div3A_79 : vector<30x32xf32>
    %get3A_81 = arith.constant 0 : index
    %get3A_82 = arith.constant 0 : index
    %get3A_83 = vector.load %arg7[%get3A_81, %get3A_82] : memref<32x32xf32, #tpu.memory_space<vmem>>, vector<32x32xf32>
    %dot_general3A_84 = arith.constant dense<0.000000e+00> : vector<30x32xf32>
    %dot_general3A_85 = tpu.matmul %div3A_80, %get3A_83, %dot_general3A_84 {dimension_numbers = #tpu.dot_dimension_numbers<[1], [1], [0], [0], [0, 0, 1, 0], [], []>, transpose_lhs_hint = false} : vector<30x32xf32>, vector<32x32xf32>, vector<30x32xf32> -> vector<30x32xf32>
    %get3A_86 = arith.constant 2 : index
    %get3A_87 = arith.constant 0 : index
    %get3A_88 = vector.load %arg9[%get3A_86, %get3A_87] : memref<3x32xf32, #tpu.memory_space<vmem>>, vector<1x32xf32>
    %add3A_89 = vector.broadcast %get3A_88 : vector<1x32xf32> to vector<30x32xf32>
    %add3A_90 = arith.addf %dot_general3A_85, %add3A_89 : vector<30x32xf32>
    %slice3A_91 = vector.extract_strided_slice %get3A_16 {offsets = [112, 0], sizes = [30, 32], strides = [1, 1]} : vector<142x32xf32> to vector<30x32xf32>
    %get3A_92 = arith.constant 0 : index
    %get3A_93 = arith.constant 0 : index
    %get3A_94 = vector.load %arg8[%get3A_92, %get3A_93] : memref<32x32xf32, #tpu.memory_space<vmem>>, vector<32x32xf32>
    %dot_general3A_95 = arith.constant dense<0.000000e+00> : vector<30x32xf32>
    %dot_general3A_96 = tpu.matmul %slice3A_91, %get3A_94, %dot_general3A_95 {dimension_numbers = #tpu.dot_dimension_numbers<[1], [1], [0], [0], [0, 0, 1, 0], [], []>, transpose_lhs_hint = false} : vector<30x32xf32>, vector<32x32xf32>, vector<30x32xf32> -> vector<30x32xf32>
    %add3A_97 = arith.addf %add3A_90, %dot_general3A_96 : vector<30x32xf32>
    %max3A_98 = arith.constant 0.000000e+00 : f32
    %max3A_99 = vector.broadcast %max3A_98 : f32 to vector<30x32xf32>
    %max3A_100 = arith.maximumf %add3A_97, %max3A_99 : vector<30x32xf32>
    %slice3A_101 = vector.extract_strided_slice %get3A_16 {offsets = [1, 0], sizes = [7, 32], strides = [1, 1]} : vector<142x32xf32> to vector<7x32xf32>
    %slice3A_102 = vector.extract_strided_slice %get3A_16 {offsets = [17, 0], sizes = [5, 32], strides = [1, 1]} : vector<142x32xf32> to vector<5x32xf32>
    %slice3A_103 = vector.extract_strided_slice %get3A_16 {offsets = [29, 0], sizes = [3, 32], strides = [1, 1]} : vector<142x32xf32> to vector<3x32xf32>
    %slice3A_104 = vector.extract_strided_slice %get3A_16 {offsets = [37, 0], sizes = [1, 32], strides = [1, 1]} : vector<142x32xf32> to vector<1x32xf32>
    %slice3A_105 = vector.extract_strided_slice %max3A_37 {offsets = [1, 0], sizes = [11, 32], strides = [1, 1]} : vector<44x32xf32> to vector<11x32xf32>
    %slice3A_106 = vector.extract_strided_slice %max3A_37 {offsets = [25, 0], sizes = [9, 32], strides = [1, 1]} : vector<44x32xf32> to vector<9x32xf32>
    %slice3A_107 = vector.extract_strided_slice %max3A_66 {offsets = [1, 0], sizes = [13, 32], strides = [1, 1]} : vector<28x32xf32> to vector<13x32xf32>
    %concatenate3A = tpu.concatenate %slice3A_101, %slice3A_102, %slice3A_103, %slice3A_104, %slice3A_105, %slice3A_106, %slice3A_107, %max3A_100 in 0 : vector<7x32xf32>, vector<5x32xf32>, vector<3x32xf32>, vector<1x32xf32>, vector<11x32xf32>, vector<9x32xf32>, vector<13x32xf32>, vector<30x32xf32> -> vector<79x32xf32>
    %slice3A_108 = vector.extract_strided_slice %concatenate3A {offsets = [0, 0], sizes = [1, 32], strides = [1, 1]} : vector<79x32xf32> to vector<1x32xf32>
    %swap3A = arith.constant 0 : index
    %swap3A_109 = arith.constant 0 : index
    %swap3A_110 = vector.load %arg16[%swap3A, %swap3A_109] : memref<1x2528xf32, #tpu.memory_space<vmem>>, vector<1x32xf32>
    tpu.vector_store %arg16[%swap3A, %swap3A_109], %slice3A_108 {strides = array<i32>} : memref<1x2528xf32, #tpu.memory_space<vmem>>, vector<1x32xf32>,
    %slice3A_111 = vector.extract_strided_slice %concatenate3A {offsets = [1, 0], sizes = [1, 32], strides = [1, 1]} : vector<79x32xf32> to vector<1x32xf32>
    %swap3A_112 = arith.constant 0 : index
    %swap3A_113 = arith.constant 32 : index
    %swap3A_114 = vector.load %arg16[%swap3A_112, %swap3A_113] : memref<1x2528xf32, #tpu.memory_space<vmem>>, vector<1x32xf32>
    tpu.vector_store %arg16[%swap3A_112, %swap3A_113], %slice3A_111 {strides = array<i32>} : memref<1x2528xf32, #tpu.memory_space<vmem>>, vector<1x32xf32>,
    %slice3A_115 = vector.extract_strided_slice %concatenate3A {offsets = [2, 0], sizes = [1, 32], strides = [1, 1]} : vector<79x32xf32> to vector<1x32xf32>
    %swap3A_116 = arith.constant 0 : index
    %swap3A_117 = arith.constant 64 : index
    %swap3A_118 = vector.load %arg16[%swap3A_116, %swap3A_117] : memref<1x2528xf32, #tpu.memory_space<vmem>>, vector<1x32xf32>
    tpu.vector_store %arg16[%swap3A_116, %swap3A_117], %slice3A_115 {strides = array<i32>} : memref<1x2528xf32, #tpu.memory_space<vmem>>, vector<1x32xf32>,
    %slice3A_119 = vector.extract_strided_slice %concatenate3A {offsets = [3, 0], sizes = [1, 32], strides = [1, 1]} : vector<79x32xf32> to vector<1x32xf32>
    %swap3A_120 = arith.constant 0 : index
    %swap3A_121 = arith.constant 96 : index
    %swap3A_122 = vector.load %arg16[%swap3A_120, %swap3A_121] : memref<1x2528xf32, #tpu.memory_space<vmem>>, vector<1x32xf32>
    tpu.vector_store %arg16[%swap3A_120, %swap3A_121], %slice3A_119 {strides = array<i32>} : memref<1x2528xf32, #tpu.memory_space<vmem>>, vector<1x32xf32>,
    %slice3A_123 = vector.extract_strided_slice %concatenate3A {offsets = [4, 0], sizes = [1, 32], strides = [1, 1]} : vector<79x32xf32> to vector<1x32xf32>
    %swap3A_124 = arith.constant 0 : index
    %swap3A_125 = arith.constant 128 : index
    %swap3A_126 = vector.load %arg16[%swap3A_124, %swap3A_125] : memref<1x2528xf32, #tpu.memory_space<vmem>>, vector<1x32xf32>
    tpu.vector_store %arg16[%swap3A_124, %swap3A_125], %slice3A_123 {strides = array<i32>} : memref<1x2528xf32, #tpu.memory_space<vmem>>, vector<1x32xf32>,
    %slice3A_127 = vector.extract_strided_slice %concatenate3A {offsets = [5, 0], sizes = [1, 32], strides = [1, 1]} : vector<79x32xf32> to vector<1x32xf32>
    %swap3A_128 = arith.constant 0 : index
    %swap3A_129 = arith.constant 160 : index
    %swap3A_130 = vector.load %arg16[%swap3A_128, %swap3A_129] : memref<1x2528xf32, #tpu.memory_space<vmem>>, vector<1x32xf32>
    tpu.vector_store %arg16[%swap3A_128, %swap3A_129], %slice3A_127 {strides = array<i32>} : memref<1x2528xf32, #tpu.memory_space<vmem>>, vector<1x32xf32>,
    %slice3A_131 = vector.extract_strided_slice %concatenate3A {offsets = [6, 0], sizes = [1, 32], strides = [1, 1]} : vector<79x32xf32> to vector<1x32xf32>
    %swap3A_132 = arith.constant 0 : index
    %swap3A_133 = arith.constant 192 : index
    %swap3A_134 = vector.load %arg16[%swap3A_132, %swap3A_133] : memref<1x2528xf32, #tpu.memory_space<vmem>>, vector<1x32xf32>
    tpu.vector_store %arg16[%swap3A_132, %swap3A_133], %slice3A_131 {strides = array<i32>} : memref<1x2528xf32, #tpu.memory_space<vmem>>, vector<1x32xf32>,
    %slice3A_135 = vector.extract_strided_slice %concatenate3A {offsets = [7, 0], sizes = [1, 32], strides = [1, 1]} : vector<79x32xf32> to vector<1x32xf32>
    %swap3A_136 = arith.constant 0 : index
    %swap3A_137 = arith.constant 224 : index
    %swap3A_138 = vector.load %arg16[%swap3A_136, %swap3A_137] : memref<1x2528xf32, #tpu.memory_space<vmem>>, vector<1x32xf32>
    tpu.vector_store %arg16[%swap3A_136, %swap3A_137], %slice3A_135 {strides = array<i32>} : memref<1x2528xf32, #tpu.memory_space<vmem>>, vector<1x32xf32>,
    %slice3A_139 = vector.extract_strided_slice %concatenate3A {offsets = [8, 0], sizes = [1, 32], strides = [1, 1]} : vector<79x32xf32> to vector<1x32xf32>
    %swap3A_140 = arith.constant 0 : index
    %swap3A_141 = arith.constant 256 : index
    %swap3A_142 = vector.load %arg16[%swap3A_140, %swap3A_141] : memref<1x2528xf32, #tpu.memory_space<vmem>>, vector<1x32xf32>
    tpu.vector_store %arg16[%swap3A_140, %swap3A_141], %slice3A_139 {strides = array<i32>} : memref<1x2528xf32, #tpu.memory_space<vmem>>, vector<1x32xf32>,
    %slice3A_143 = vector.extract_strided_slice %concatenate3A {offsets = [9, 0], sizes = [1, 32], strides = [1, 1]} : vector<79x32xf32> to vector<1x32xf32>
    %swap3A_144 = arith.constant 0 : index
    %swap3A_145 = arith.constant 288 : index
    %swap3A_146 = vector.load %arg16[%swap3A_144, %swap3A_145] : memref<1x2528xf32, #tpu.memory_space<vmem>>, vector<1x32xf32>
    tpu.vector_store %arg16[%swap3A_144, %swap3A_145], %slice3A_143 {strides = array<i32>} : memref<1x2528xf32, #tpu.memory_space<vmem>>, vector<1x32xf32>,
    %slice3A_147 = vector.extract_strided_slice %concatenate3A {offsets = [10, 0], sizes = [1, 32], strides = [1, 1]} : vector<79x32xf32> to vector<1x32xf32>
    %swap3A_148 = arith.constant 0 : index
    %swap3A_149 = arith.constant 320 : index
    %swap3A_150 = vector.load %arg16[%swap3A_148, %swap3A_149] : memref<1x2528xf32, #tpu.memory_space<vmem>>, vector<1x32xf32>
    tpu.vector_store %arg16[%swap3A_148, %swap3A_149], %slice3A_147 {strides = array<i32>} : memref<1x2528xf32, #tpu.memory_space<vmem>>, vector<1x32xf32>,
    %slice3A_151 = vector.extract_strided_slice %concatenate3A {offsets = [11, 0], sizes = [1, 32], strides = [1, 1]} : vector<79x32xf32> to vector<1x32xf32>
    %swap3A_152 = arith.constant 0 : index
    %swap3A_153 = arith.constant 352 : index
    %swap3A_154 = vector.load %arg16[%swap3A_152, %swap3A_153] : memref<1x2528xf32, #tpu.memory_space<vmem>>, vector<1x32xf32>
    tpu.vector_store %arg16[%swap3A_152, %swap3A_153], %slice3A_151 {strides = array<i32>} : memref<1x2528xf32, #tpu.memory_space<vmem>>, vector<1x32xf32>,
    %slice3A_155 = vector.extract_strided_slice %concatenate3A {offsets = [12, 0], sizes = [1, 32], strides = [1, 1]} : vector<79x32xf32> to vector<1x32xf32>
    %swap3A_156 = arith.constant 0 : index
    %swap3A_157 = arith.constant 384 : index
    %swap3A_158 = vector.load %arg16[%swap3A_156, %swap3A_157] : memref<1x2528xf32, #tpu.memory_space<vmem>>, vector<1x32xf32>
    tpu.vector_store %arg16[%swap3A_156, %swap3A_157], %slice3A_155 {strides = array<i32>} : memref<1x2528xf32, #tpu.memory_space<vmem>>, vector<1x32xf32>,
    %slice3A_159 = vector.extract_strided_slice %concatenate3A {offsets = [13, 0], sizes = [1, 32], strides = [1, 1]} : vector<79x32xf32> to vector<1x32xf32>
    %swap3A_160 = arith.constant 0 : index
    %swap3A_161 = arith.constant 416 : index
    %swap3A_162 = vector.load %arg16[%swap3A_160, %swap3A_161] : memref<1x2528xf32, #tpu.memory_space<vmem>>, vector<1x32xf32>
    tpu.vector_store %arg16[%swap3A_160, %swap3A_161], %slice3A_159 {strides = array<i32>} : memref<1x2528xf32, #tpu.memory_space<vmem>>, vector<1x32xf32>,
    %slice3A_163 = vector.extract_strided_slice %concatenate3A {offsets = [14, 0], sizes = [1, 32], strides = [1, 1]} : vector<79x32xf32> to vector<1x32xf32>
    %swap3A_164 = arith.constant 0 : index
    %swap3A_165 = arith.constant 448 : index
    %swap3A_166 = vector.load %arg16[%swap3A_164, %swap3A_165] : memref<1x2528xf32, #tpu.memory_space<vmem>>, vector<1x32xf32>
    tpu.vector_store %arg16[%swap3A_164, %swap3A_165], %slice3A_163 {strides = array<i32>} : memref<1x2528xf32, #tpu.memory_space<vmem>>, vector<1x32xf32>,
    %slice3A_167 = vector.extract_strided_slice %concatenate3A {offsets = [15, 0], sizes = [1, 32], strides = [1, 1]} : vector<79x32xf32> to vector<1x32xf32>
    %swap3A_168 = arith.constant 0 : index
    %swap3A_169 = arith.constant 480 : index
    %swap3A_170 = vector.load %arg16[%swap3A_168, %swap3A_169] : memref<1x2528xf32, #tpu.memory_space<vmem>>, vector<1x32xf32>
    tpu.vector_store %arg16[%swap3A_168, %swap3A_169], %slice3A_167 {strides = array<i32>} : memref<1x2528xf32, #tpu.memory_space<vmem>>, vector<1x32xf32>,
    %slice3A_171 = vector.extract_strided_slice %concatenate3A {offsets = [16, 0], sizes = [1, 32], strides = [1, 1]} : vector<79x32xf32> to vector<1x32xf32>
    %swap3A_172 = arith.constant 0 : index
    %swap3A_173 = arith.constant 512 : index
    %swap3A_174 = vector.load %arg16[%swap3A_172, %swap3A_173] : memref<1x2528xf32, #tpu.memory_space<vmem>>, vector<1x32xf32>
    tpu.vector_store %arg16[%swap3A_172, %swap3A_173], %slice3A_171 {strides = array<i32>} : memref<1x2528xf32, #tpu.memory_space<vmem>>, vector<1x32xf32>,
    %slice3A_175 = vector.extract_strided_slice %concatenate3A {offsets = [17, 0], sizes = [1, 32], strides = [1, 1]} : vector<79x32xf32> to vector<1x32xf32>
    %swap3A_176 = arith.constant 0 : index
    %swap3A_177 = arith.constant 544 : index
    %swap3A_178 = vector.load %arg16[%swap3A_176, %swap3A_177] : memref<1x2528xf32, #tpu.memory_space<vmem>>, vector<1x32xf32>
    tpu.vector_store %arg16[%swap3A_176, %swap3A_177], %slice3A_175 {strides = array<i32>} : memref<1x2528xf32, #tpu.memory_space<vmem>>, vector<1x32xf32>,
    %slice3A_179 = vector.extract_strided_slice %concatenate3A {offsets = [18, 0], sizes = [1, 32], strides = [1, 1]} : vector<79x32xf32> to vector<1x32xf32>
    %swap3A_180 = arith.constant 0 : index
    %swap3A_181 = arith.constant 576 : index
    %swap3A_182 = vector.load %arg16[%swap3A_180, %swap3A_181] : memref<1x2528xf32, #tpu.memory_space<vmem>>, vector<1x32xf32>
    tpu.vector_store %arg16[%swap3A_180, %swap3A_181], %slice3A_179 {strides = array<i32>} : memref<1x2528xf32, #tpu.memory_space<vmem>>, vector<1x32xf32>,
    %slice3A_183 = vector.extract_strided_slice %concatenate3A {offsets = [19, 0], sizes = [1, 32], strides = [1, 1]} : vector<79x32xf32> to vector<1x32xf32>
    %swap3A_184 = arith.constant 0 : index
    %swap3A_185 = arith.constant 608 : index
    %swap3A_186 = vector.load %arg16[%swap3A_184, %swap3A_185] : memref<1x2528xf32, #tpu.memory_space<vmem>>, vector<1x32xf32>
    tpu.vector_store %arg16[%swap3A_184, %swap3A_185], %slice3A_183 {strides = array<i32>} : memref<1x2528xf32, #tpu.memory_space<vmem>>, vector<1x32xf32>,
    %slice3A_187 = vector.extract_strided_slice %concatenate3A {offsets = [20, 0], sizes = [1, 32], strides = [1, 1]} : vector<79x32xf32> to vector<1x32xf32>
    %swap3A_188 = arith.constant 0 : index
    %swap3A_189 = arith.constant 640 : index
    %swap3A_190 = vector.load %arg16[%swap3A_188, %swap3A_189] : memref<1x2528xf32, #tpu.memory_space<vmem>>, vector<1x32xf32>
    tpu.vector_store %arg16[%swap3A_188, %swap3A_189], %slice3A_187 {strides = array<i32>} : memref<1x2528xf32, #tpu.memory_space<vmem>>, vector<1x32xf32>,
    %slice3A_191 = vector.extract_strided_slice %concatenate3A {offsets = [21, 0], sizes = [1, 32], strides = [1, 1]} : vector<79x32xf32> to vector<1x32xf32>
    %swap3A_192 = arith.constant 0 : index
    %swap3A_193 = arith.constant 672 : index
    %swap3A_194 = vector.load %arg16[%swap3A_192, %swap3A_193] : memref<1x2528xf32, #tpu.memory_space<vmem>>, vector<1x32xf32>
    tpu.vector_store %arg16[%swap3A_192, %swap3A_193], %slice3A_191 {strides = array<i32>} : memref<1x2528xf32, #tpu.memory_space<vmem>>, vector<1x32xf32>,
    %slice3A_195 = vector.extract_strided_slice %concatenate3A {offsets = [22, 0], sizes = [1, 32], strides = [1, 1]} : vector<79x32xf32> to vector<1x32xf32>
    %swap3A_196 = arith.constant 0 : index
    %swap3A_197 = arith.constant 704 : index
    %swap3A_198 = vector.load %arg16[%swap3A_196, %swap3A_197] : memref<1x2528xf32, #tpu.memory_space<vmem>>, vector<1x32xf32>
    tpu.vector_store %arg16[%swap3A_196, %swap3A_197], %slice3A_195 {strides = array<i32>} : memref<1x2528xf32, #tpu.memory_space<vmem>>, vector<1x32xf32>,
    %slice3A_199 = vector.extract_strided_slice %concatenate3A {offsets = [23, 0], sizes = [1, 32], strides = [1, 1]} : vector<79x32xf32> to vector<1x32xf32>
    %swap3A_200 = arith.constant 0 : index
    %swap3A_201 = arith.constant 736 : index
    %swap3A_202 = vector.load %arg16[%swap3A_200, %swap3A_201] : memref<1x2528xf32, #tpu.memory_space<vmem>>, vector<1x32xf32>
    tpu.vector_store %arg16[%swap3A_200, %swap3A_201], %slice3A_199 {strides = array<i32>} : memref<1x2528xf32, #tpu.memory_space<vmem>>, vector<1x32xf32>,
    %slice3A_203 = vector.extract_strided_slice %concatenate3A {offsets = [24, 0], sizes = [1, 32], strides = [1, 1]} : vector<79x32xf32> to vector<1x32xf32>
    %swap3A_204 = arith.constant 0 : index
    %swap3A_205 = arith.constant 768 : index
    %swap3A_206 = vector.load %arg16[%swap3A_204, %swap3A_205] : memref<1x2528xf32, #tpu.memory_space<vmem>>, vector<1x32xf32>
    tpu.vector_store %arg16[%swap3A_204, %swap3A_205], %slice3A_203 {strides = array<i32>} : memref<1x2528xf32, #tpu.memory_space<vmem>>, vector<1x32xf32>,
    %slice3A_207 = vector.extract_strided_slice %concatenate3A {offsets = [25, 0], sizes = [1, 32], strides = [1, 1]} : vector<79x32xf32> to vector<1x32xf32>
    %swap3A_208 = arith.constant 0 : index
    %swap3A_209 = arith.constant 800 : index
    %swap3A_210 = vector.load %arg16[%swap3A_208, %swap3A_209] : memref<1x2528xf32, #tpu.memory_space<vmem>>, vector<1x32xf32>
    tpu.vector_store %arg16[%swap3A_208, %swap3A_209], %slice3A_207 {strides = array<i32>} : memref<1x2528xf32, #tpu.memory_space<vmem>>, vector<1x32xf32>,
    %slice3A_211 = vector.extract_strided_slice %concatenate3A {offsets = [26, 0], sizes = [1, 32], strides = [1, 1]} : vector<79x32xf32> to vector<1x32xf32>
    %swap3A_212 = arith.constant 0 : index
    %swap3A_213 = arith.constant 832 : index
    %swap3A_214 = vector.load %arg16[%swap3A_212, %swap3A_213] : memref<1x2528xf32, #tpu.memory_space<vmem>>, vector<1x32xf32>
    tpu.vector_store %arg16[%swap3A_212, %swap3A_213], %slice3A_211 {strides = array<i32>} : memref<1x2528xf32, #tpu.memory_space<vmem>>, vector<1x32xf32>,
    %slice3A_215 = vector.extract_strided_slice %concatenate3A {offsets = [27, 0], sizes = [1, 32], strides = [1, 1]} : vector<79x32xf32> to vector<1x32xf32>
    %swap3A_216 = arith.constant 0 : index
    %swap3A_217 = arith.constant 864 : index
    %swap3A_218 = vector.load %arg16[%swap3A_216, %swap3A_217] : memref<1x2528xf32, #tpu.memory_space<vmem>>, vector<1x32xf32>
    tpu.vector_store %arg16[%swap3A_216, %swap3A_217], %slice3A_215 {strides = array<i32>} : memref<1x2528xf32, #tpu.memory_space<vmem>>, vector<1x32xf32>,
    %slice3A_219 = vector.extract_strided_slice %concatenate3A {offsets = [28, 0], sizes = [1, 32], strides = [1, 1]} : vector<79x32xf32> to vector<1x32xf32>
    %swap3A_220 = arith.constant 0 : index
    %swap3A_221 = arith.constant 896 : index
    %swap3A_222 = vector.load %arg16[%swap3A_220, %swap3A_221] : memref<1x2528xf32, #tpu.memory_space<vmem>>, vector<1x32xf32>
    tpu.vector_store %arg16[%swap3A_220, %swap3A_221], %slice3A_219 {strides = array<i32>} : memref<1x2528xf32, #tpu.memory_space<vmem>>, vector<1x32xf32>,
    %slice3A_223 = vector.extract_strided_slice %concatenate3A {offsets = [29, 0], sizes = [1, 32], strides = [1, 1]} : vector<79x32xf32> to vector<1x32xf32>
    %swap3A_224 = arith.constant 0 : index
    %swap3A_225 = arith.constant 928 : index
    %swap3A_226 = vector.load %arg16[%swap3A_224, %swap3A_225] : memref<1x2528xf32, #tpu.memory_space<vmem>>, vector<1x32xf32>
    tpu.vector_store %arg16[%swap3A_224, %swap3A_225], %slice3A_223 {strides = array<i32>} : memref<1x2528xf32, #tpu.memory_space<vmem>>, vector<1x32xf32>,
    %slice3A_227 = vector.extract_strided_slice %concatenate3A {offsets = [30, 0], sizes = [1, 32], strides = [1, 1]} : vector<79x32xf32> to vector<1x32xf32>
    %swap3A_228 = arith.constant 0 : index
    %swap3A_229 = arith.constant 960 : index
    %swap3A_230 = vector.load %arg16[%swap3A_228, %swap3A_229] : memref<1x2528xf32, #tpu.memory_space<vmem>>, vector<1x32xf32>
    tpu.vector_store %arg16[%swap3A_228, %swap3A_229], %slice3A_227 {strides = array<i32>} : memref<1x2528xf32, #tpu.memory_space<vmem>>, vector<1x32xf32>,
    %slice3A_231 = vector.extract_strided_slice %concatenate3A {offsets = [31, 0], sizes = [1, 32], strides = [1, 1]} : vector<79x32xf32> to vector<1x32xf32>
    %swap3A_232 = arith.constant 0 : index
    %swap3A_233 = arith.constant 992 : index
    %swap3A_234 = vector.load %arg16[%swap3A_232, %swap3A_233] : memref<1x2528xf32, #tpu.memory_space<vmem>>, vector<1x32xf32>
    tpu.vector_store %arg16[%swap3A_232, %swap3A_233], %slice3A_231 {strides = array<i32>} : memref<1x2528xf32, #tpu.memory_space<vmem>>, vector<1x32xf32>,
    %slice3A_235 = vector.extract_strided_slice %concatenate3A {offsets = [32, 0], sizes = [1, 32], strides = [1, 1]} : vector<79x32xf32> to vector<1x32xf32>
    %swap3A_236 = arith.constant 0 : index
    %swap3A_237 = arith.constant 1024 : index
    %swap3A_238 = vector.load %arg16[%swap3A_236, %swap3A_237] : memref<1x2528xf32, #tpu.memory_space<vmem>>, vector<1x32xf32>
    tpu.vector_store %arg16[%swap3A_236, %swap3A_237], %slice3A_235 {strides = array<i32>} : memref<1x2528xf32, #tpu.memory_space<vmem>>, vector<1x32xf32>,
    %slice3A_239 = vector.extract_strided_slice %concatenate3A {offsets = [33, 0], sizes = [1, 32], strides = [1, 1]} : vector<79x32xf32> to vector<1x32xf32>
    %swap3A_240 = arith.constant 0 : index
    %swap3A_241 = arith.constant 1056 : index
    %swap3A_242 = vector.load %arg16[%swap3A_240, %swap3A_241] : memref<1x2528xf32, #tpu.memory_space<vmem>>, vector<1x32xf32>
    tpu.vector_store %arg16[%swap3A_240, %swap3A_241], %slice3A_239 {strides = array<i32>} : memref<1x2528xf32, #tpu.memory_space<vmem>>, vector<1x32xf32>,
    %slice3A_243 = vector.extract_strided_slice %concatenate3A {offsets = [34, 0], sizes = [1, 32], strides = [1, 1]} : vector<79x32xf32> to vector<1x32xf32>
    %swap3A_244 = arith.constant 0 : index
    %swap3A_245 = arith.constant 1088 : index
    %swap3A_246 = vector.load %arg16[%swap3A_244, %swap3A_245] : memref<1x2528xf32, #tpu.memory_space<vmem>>, vector<1x32xf32>
    tpu.vector_store %arg16[%swap3A_244, %swap3A_245], %slice3A_243 {strides = array<i32>} : memref<1x2528xf32, #tpu.memory_space<vmem>>, vector<1x32xf32>,
    %slice3A_247 = vector.extract_strided_slice %concatenate3A {offsets = [35, 0], sizes = [1, 32], strides = [1, 1]} : vector<79x32xf32> to vector<1x32xf32>
    %swap3A_248 = arith.constant 0 : index
    %swap3A_249 = arith.constant 1120 : index
    %swap3A_250 = vector.load %arg16[%swap3A_248, %swap3A_249] : memref<1x2528xf32, #tpu.memory_space<vmem>>, vector<1x32xf32>
    tpu.vector_store %arg16[%swap3A_248, %swap3A_249], %slice3A_247 {strides = array<i32>} : memref<1x2528xf32, #tpu.memory_space<vmem>>, vector<1x32xf32>,
    %slice3A_251 = vector.extract_strided_slice %concatenate3A {offsets = [36, 0], sizes = [1, 32], strides = [1, 1]} : vector<79x32xf32> to vector<1x32xf32>
    %swap3A_252 = arith.constant 0 : index
    %swap3A_253 = arith.constant 1152 : index
    %swap3A_254 = vector.load %arg16[%swap3A_252, %swap3A_253] : memref<1x2528xf32, #tpu.memory_space<vmem>>, vector<1x32xf32>
    tpu.vector_store %arg16[%swap3A_252, %swap3A_253], %slice3A_251 {strides = array<i32>} : memref<1x2528xf32, #tpu.memory_space<vmem>>, vector<1x32xf32>,
    %slice3A_255 = vector.extract_strided_slice %concatenate3A {offsets = [37, 0], sizes = [1, 32], strides = [1, 1]} : vector<79x32xf32> to vector<1x32xf32>
    %swap3A_256 = arith.constant 0 : index
    %swap3A_257 = arith.constant 1184 : index
    %swap3A_258 = vector.load %arg16[%swap3A_256, %swap3A_257] : memref<1x2528xf32, #tpu.memory_space<vmem>>, vector<1x32xf32>
    tpu.vector_store %arg16[%swap3A_256, %swap3A_257], %slice3A_255 {strides = array<i32>} : memref<1x2528xf32, #tpu.memory_space<vmem>>, vector<1x32xf32>,
    %slice3A_259 = vector.extract_strided_slice %concatenate3A {offsets = [38, 0], sizes = [1, 32], strides = [1, 1]} : vector<79x32xf32> to vector<1x32xf32>
    %swap3A_260 = arith.constant 0 : index
    %swap3A_261 = arith.constant 1216 : index
    %swap3A_262 = vector.load %arg16[%swap3A_260, %swap3A_261] : memref<1x2528xf32, #tpu.memory_space<vmem>>, vector<1x32xf32>
    tpu.vector_store %arg16[%swap3A_260, %swap3A_261], %slice3A_259 {strides = array<i32>} : memref<1x2528xf32, #tpu.memory_space<vmem>>, vector<1x32xf32>,
    %slice3A_263 = vector.extract_strided_slice %concatenate3A {offsets = [39, 0], sizes = [1, 32], strides = [1, 1]} : vector<79x32xf32> to vector<1x32xf32>
    %swap3A_264 = arith.constant 0 : index
    %swap3A_265 = arith.constant 1248 : index
    %swap3A_266 = vector.load %arg16[%swap3A_264, %swap3A_265] : memref<1x2528xf32, #tpu.memory_space<vmem>>, vector<1x32xf32>
    tpu.vector_store %arg16[%swap3A_264, %swap3A_265], %slice3A_263 {strides = array<i32>} : memref<1x2528xf32, #tpu.memory_space<vmem>>, vector<1x32xf32>,
    %slice3A_267 = vector.extract_strided_slice %concatenate3A {offsets = [40, 0], sizes = [1, 32], strides = [1, 1]} : vector<79x32xf32> to vector<1x32xf32>
    %swap3A_268 = arith.constant 0 : index
    %swap3A_269 = arith.constant 1280 : index
    %swap3A_270 = vector.load %arg16[%swap3A_268, %swap3A_269] : memref<1x2528xf32, #tpu.memory_space<vmem>>, vector<1x32xf32>
    tpu.vector_store %arg16[%swap3A_268, %swap3A_269], %slice3A_267 {strides = array<i32>} : memref<1x2528xf32, #tpu.memory_space<vmem>>, vector<1x32xf32>,
    %slice3A_271 = vector.extract_strided_slice %concatenate3A {offsets = [41, 0], sizes = [1, 32], strides = [1, 1]} : vector<79x32xf32> to vector<1x32xf32>
    %swap3A_272 = arith.constant 0 : index
    %swap3A_273 = arith.constant 1312 : index
    %swap3A_274 = vector.load %arg16[%swap3A_272, %swap3A_273] : memref<1x2528xf32, #tpu.memory_space<vmem>>, vector<1x32xf32>
    tpu.vector_store %arg16[%swap3A_272, %swap3A_273], %slice3A_271 {strides = array<i32>} : memref<1x2528xf32, #tpu.memory_space<vmem>>, vector<1x32xf32>,
    %slice3A_275 = vector.extract_strided_slice %concatenate3A {offsets = [42, 0], sizes = [1, 32], strides = [1, 1]} : vector<79x32xf32> to vector<1x32xf32>
    %swap3A_276 = arith.constant 0 : index
    %swap3A_277 = arith.constant 1344 : index
    %swap3A_278 = vector.load %arg16[%swap3A_276, %swap3A_277] : memref<1x2528xf32, #tpu.memory_space<vmem>>, vector<1x32xf32>
    tpu.vector_store %arg16[%swap3A_276, %swap3A_277], %slice3A_275 {strides = array<i32>} : memref<1x2528xf32, #tpu.memory_space<vmem>>, vector<1x32xf32>,
    %slice3A_279 = vector.extract_strided_slice %concatenate3A {offsets = [43, 0], sizes = [1, 32], strides = [1, 1]} : vector<79x32xf32> to vector<1x32xf32>
    %swap3A_280 = arith.constant 0 : index
    %swap3A_281 = arith.constant 1376 : index
    %swap3A_282 = vector.load %arg16[%swap3A_280, %swap3A_281] : memref<1x2528xf32, #tpu.memory_space<vmem>>, vector<1x32xf32>
    tpu.vector_store %arg16[%swap3A_280, %swap3A_281], %slice3A_279 {strides = array<i32>} : memref<1x2528xf32, #tpu.memory_space<vmem>>, vector<1x32xf32>,
    %slice3A_283 = vector.extract_strided_slice %concatenate3A {offsets = [44, 0], sizes = [1, 32], strides = [1, 1]} : vector<79x32xf32> to vector<1x32xf32>
    %swap3A_284 = arith.constant 0 : index
    %swap3A_285 = arith.constant 1408 : index
    %swap3A_286 = vector.load %arg16[%swap3A_284, %swap3A_285] : memref<1x2528xf32, #tpu.memory_space<vmem>>, vector<1x32xf32>
    tpu.vector_store %arg16[%swap3A_284, %swap3A_285], %slice3A_283 {strides = array<i32>} : memref<1x2528xf32, #tpu.memory_space<vmem>>, vector<1x32xf32>,
    %slice3A_287 = vector.extract_strided_slice %concatenate3A {offsets = [45, 0], sizes = [1, 32], strides = [1, 1]} : vector<79x32xf32> to vector<1x32xf32>
    %swap3A_288 = arith.constant 0 : index
    %swap3A_289 = arith.constant 1440 : index
    %swap3A_290 = vector.load %arg16[%swap3A_288, %swap3A_289] : memref<1x2528xf32, #tpu.memory_space<vmem>>, vector<1x32xf32>
    tpu.vector_store %arg16[%swap3A_288, %swap3A_289], %slice3A_287 {strides = array<i32>} : memref<1x2528xf32, #tpu.memory_space<vmem>>, vector<1x32xf32>,
    %slice3A_291 = vector.extract_strided_slice %concatenate3A {offsets = [46, 0], sizes = [1, 32], strides = [1, 1]} : vector<79x32xf32> to vector<1x32xf32>
    %swap3A_292 = arith.constant 0 : index
    %swap3A_293 = arith.constant 1472 : index
    %swap3A_294 = vector.load %arg16[%swap3A_292, %swap3A_293] : memref<1x2528xf32, #tpu.memory_space<vmem>>, vector<1x32xf32>
    tpu.vector_store %arg16[%swap3A_292, %swap3A_293], %slice3A_291 {strides = array<i32>} : memref<1x2528xf32, #tpu.memory_space<vmem>>, vector<1x32xf32>,
    %slice3A_295 = vector.extract_strided_slice %concatenate3A {offsets = [47, 0], sizes = [1, 32], strides = [1, 1]} : vector<79x32xf32> to vector<1x32xf32>
    %swap3A_296 = arith.constant 0 : index
    %swap3A_297 = arith.constant 1504 : index
    %swap3A_298 = vector.load %arg16[%swap3A_296, %swap3A_297] : memref<1x2528xf32, #tpu.memory_space<vmem>>, vector<1x32xf32>
    tpu.vector_store %arg16[%swap3A_296, %swap3A_297], %slice3A_295 {strides = array<i32>} : memref<1x2528xf32, #tpu.memory_space<vmem>>, vector<1x32xf32>,
    %slice3A_299 = vector.extract_strided_slice %concatenate3A {offsets = [48, 0], sizes = [1, 32], strides = [1, 1]} : vector<79x32xf32> to vector<1x32xf32>
    %swap3A_300 = arith.constant 0 : index
    %swap3A_301 = arith.constant 1536 : index
    %swap3A_302 = vector.load %arg16[%swap3A_300, %swap3A_301] : memref<1x2528xf32, #tpu.memory_space<vmem>>, vector<1x32xf32>
    tpu.vector_store %arg16[%swap3A_300, %swap3A_301], %slice3A_299 {strides = array<i32>} : memref<1x2528xf32, #tpu.memory_space<vmem>>, vector<1x32xf32>,
    %slice3A_303 = vector.extract_strided_slice %concatenate3A {offsets = [49, 0], sizes = [1, 32], strides = [1, 1]} : vector<79x32xf32> to vector<1x32xf32>
    %swap3A_304 = arith.constant 0 : index
    %swap3A_305 = arith.constant 1568 : index
    %swap3A_306 = vector.load %arg16[%swap3A_304, %swap3A_305] : memref<1x2528xf32, #tpu.memory_space<vmem>>, vector<1x32xf32>
    tpu.vector_store %arg16[%swap3A_304, %swap3A_305], %slice3A_303 {strides = array<i32>} : memref<1x2528xf32, #tpu.memory_space<vmem>>, vector<1x32xf32>,
    %slice3A_307 = vector.extract_strided_slice %concatenate3A {offsets = [50, 0], sizes = [1, 32], strides = [1, 1]} : vector<79x32xf32> to vector<1x32xf32>
    %swap3A_308 = arith.constant 0 : index
    %swap3A_309 = arith.constant 1600 : index
    %swap3A_310 = vector.load %arg16[%swap3A_308, %swap3A_309] : memref<1x2528xf32, #tpu.memory_space<vmem>>, vector<1x32xf32>
    tpu.vector_store %arg16[%swap3A_308, %swap3A_309], %slice3A_307 {strides = array<i32>} : memref<1x2528xf32, #tpu.memory_space<vmem>>, vector<1x32xf32>,
    %slice3A_311 = vector.extract_strided_slice %concatenate3A {offsets = [51, 0], sizes = [1, 32], strides = [1, 1]} : vector<79x32xf32> to vector<1x32xf32>
    %swap3A_312 = arith.constant 0 : index
    %swap3A_313 = arith.constant 1632 : index
    %swap3A_314 = vector.load %arg16[%swap3A_312, %swap3A_313] : memref<1x2528xf32, #tpu.memory_space<vmem>>, vector<1x32xf32>
    tpu.vector_store %arg16[%swap3A_312, %swap3A_313], %slice3A_311 {strides = array<i32>} : memref<1x2528xf32, #tpu.memory_space<vmem>>, vector<1x32xf32>,
    %slice3A_315 = vector.extract_strided_slice %concatenate3A {offsets = [52, 0], sizes = [1, 32], strides = [1, 1]} : vector<79x32xf32> to vector<1x32xf32>
    %swap3A_316 = arith.constant 0 : index
    %swap3A_317 = arith.constant 1664 : index
    %swap3A_318 = vector.load %arg16[%swap3A_316, %swap3A_317] : memref<1x2528xf32, #tpu.memory_space<vmem>>, vector<1x32xf32>
    tpu.vector_store %arg16[%swap3A_316, %swap3A_317], %slice3A_315 {strides = array<i32>} : memref<1x2528xf32, #tpu.memory_space<vmem>>, vector<1x32xf32>,
    %slice3A_319 = vector.extract_strided_slice %concatenate3A {offsets = [53, 0], sizes = [1, 32], strides = [1, 1]} : vector<79x32xf32> to vector<1x32xf32>
    %swap3A_320 = arith.constant 0 : index
    %swap3A_321 = arith.constant 1696 : index
    %swap3A_322 = vector.load %arg16[%swap3A_320, %swap3A_321] : memref<1x2528xf32, #tpu.memory_space<vmem>>, vector<1x32xf32>
    tpu.vector_store %arg16[%swap3A_320, %swap3A_321], %slice3A_319 {strides = array<i32>} : memref<1x2528xf32, #tpu.memory_space<vmem>>, vector<1x32xf32>,
    %slice3A_323 = vector.extract_strided_slice %concatenate3A {offsets = [54, 0], sizes = [1, 32], strides = [1, 1]} : vector<79x32xf32> to vector<1x32xf32>
    %swap3A_324 = arith.constant 0 : index
    %swap3A_325 = arith.constant 1728 : index
    %swap3A_326 = vector.load %arg16[%swap3A_324, %swap3A_325] : memref<1x2528xf32, #tpu.memory_space<vmem>>, vector<1x32xf32>
    tpu.vector_store %arg16[%swap3A_324, %swap3A_325], %slice3A_323 {strides = array<i32>} : memref<1x2528xf32, #tpu.memory_space<vmem>>, vector<1x32xf32>,
    %slice3A_327 = vector.extract_strided_slice %concatenate3A {offsets = [55, 0], sizes = [1, 32], strides = [1, 1]} : vector<79x32xf32> to vector<1x32xf32>
    %swap3A_328 = arith.constant 0 : index
    %swap3A_329 = arith.constant 1760 : index
    %swap3A_330 = vector.load %arg16[%swap3A_328, %swap3A_329] : memref<1x2528xf32, #tpu.memory_space<vmem>>, vector<1x32xf32>
    tpu.vector_store %arg16[%swap3A_328, %swap3A_329], %slice3A_327 {strides = array<i32>} : memref<1x2528xf32, #tpu.memory_space<vmem>>, vector<1x32xf32>,
    %slice3A_331 = vector.extract_strided_slice %concatenate3A {offsets = [56, 0], sizes = [1, 32], strides = [1, 1]} : vector<79x32xf32> to vector<1x32xf32>
    %swap3A_332 = arith.constant 0 : index
    %swap3A_333 = arith.constant 1792 : index
    %swap3A_334 = vector.load %arg16[%swap3A_332, %swap3A_333] : memref<1x2528xf32, #tpu.memory_space<vmem>>, vector<1x32xf32>
    tpu.vector_store %arg16[%swap3A_332, %swap3A_333], %slice3A_331 {strides = array<i32>} : memref<1x2528xf32, #tpu.memory_space<vmem>>, vector<1x32xf32>,
    %slice3A_335 = vector.extract_strided_slice %concatenate3A {offsets = [57, 0], sizes = [1, 32], strides = [1, 1]} : vector<79x32xf32> to vector<1x32xf32>
    %swap3A_336 = arith.constant 0 : index
    %swap3A_337 = arith.constant 1824 : index
    %swap3A_338 = vector.load %arg16[%swap3A_336, %swap3A_337] : memref<1x2528xf32, #tpu.memory_space<vmem>>, vector<1x32xf32>
    tpu.vector_store %arg16[%swap3A_336, %swap3A_337], %slice3A_335 {strides = array<i32>} : memref<1x2528xf32, #tpu.memory_space<vmem>>, vector<1x32xf32>,
    %slice3A_339 = vector.extract_strided_slice %concatenate3A {offsets = [58, 0], sizes = [1, 32], strides = [1, 1]} : vector<79x32xf32> to vector<1x32xf32>
    %swap3A_340 = arith.constant 0 : index
    %swap3A_341 = arith.constant 1856 : index
    %swap3A_342 = vector.load %arg16[%swap3A_340, %swap3A_341] : memref<1x2528xf32, #tpu.memory_space<vmem>>, vector<1x32xf32>
    tpu.vector_store %arg16[%swap3A_340, %swap3A_341], %slice3A_339 {strides = array<i32>} : memref<1x2528xf32, #tpu.memory_space<vmem>>, vector<1x32xf32>,
    %slice3A_343 = vector.extract_strided_slice %concatenate3A {offsets = [59, 0], sizes = [1, 32], strides = [1, 1]} : vector<79x32xf32> to vector<1x32xf32>
    %swap3A_344 = arith.constant 0 : index
    %swap3A_345 = arith.constant 1888 : index
    %swap3A_346 = vector.load %arg16[%swap3A_344, %swap3A_345] : memref<1x2528xf32, #tpu.memory_space<vmem>>, vector<1x32xf32>
    tpu.vector_store %arg16[%swap3A_344, %swap3A_345], %slice3A_343 {strides = array<i32>} : memref<1x2528xf32, #tpu.memory_space<vmem>>, vector<1x32xf32>,
    %slice3A_347 = vector.extract_strided_slice %concatenate3A {offsets = [60, 0], sizes = [1, 32], strides = [1, 1]} : vector<79x32xf32> to vector<1x32xf32>
    %swap3A_348 = arith.constant 0 : index
    %swap3A_349 = arith.constant 1920 : index
    %swap3A_350 = vector.load %arg16[%swap3A_348, %swap3A_349] : memref<1x2528xf32, #tpu.memory_space<vmem>>, vector<1x32xf32>
    tpu.vector_store %arg16[%swap3A_348, %swap3A_349], %slice3A_347 {strides = array<i32>} : memref<1x2528xf32, #tpu.memory_space<vmem>>, vector<1x32xf32>,
    %slice3A_351 = vector.extract_strided_slice %concatenate3A {offsets = [61, 0], sizes = [1, 32], strides = [1, 1]} : vector<79x32xf32> to vector<1x32xf32>
    %swap3A_352 = arith.constant 0 : index
    %swap3A_353 = arith.constant 1952 : index
    %swap3A_354 = vector.load %arg16[%swap3A_352, %swap3A_353] : memref<1x2528xf32, #tpu.memory_space<vmem>>, vector<1x32xf32>
    tpu.vector_store %arg16[%swap3A_352, %swap3A_353], %slice3A_351 {strides = array<i32>} : memref<1x2528xf32, #tpu.memory_space<vmem>>, vector<1x32xf32>,
    %slice3A_355 = vector.extract_strided_slice %concatenate3A {offsets = [62, 0], sizes = [1, 32], strides = [1, 1]} : vector<79x32xf32> to vector<1x32xf32>
    %swap3A_356 = arith.constant 0 : index
    %swap3A_357 = arith.constant 1984 : index
    %swap3A_358 = vector.load %arg16[%swap3A_356, %swap3A_357] : memref<1x2528xf32, #tpu.memory_space<vmem>>, vector<1x32xf32>
    tpu.vector_store %arg16[%swap3A_356, %swap3A_357], %slice3A_355 {strides = array<i32>} : memref<1x2528xf32, #tpu.memory_space<vmem>>, vector<1x32xf32>,
    %slice3A_359 = vector.extract_strided_slice %concatenate3A {offsets = [63, 0], sizes = [1, 32], strides = [1, 1]} : vector<79x32xf32> to vector<1x32xf32>
    %swap3A_360 = arith.constant 0 : index
    %swap3A_361 = arith.constant 2016 : index
    %swap3A_362 = vector.load %arg16[%swap3A_360, %swap3A_361] : memref<1x2528xf32, #tpu.memory_space<vmem>>, vector<1x32xf32>
    tpu.vector_store %arg16[%swap3A_360, %swap3A_361], %slice3A_359 {strides = array<i32>} : memref<1x2528xf32, #tpu.memory_space<vmem>>, vector<1x32xf32>,
    %slice3A_363 = vector.extract_strided_slice %concatenate3A {offsets = [64, 0], sizes = [1, 32], strides = [1, 1]} : vector<79x32xf32> to vector<1x32xf32>
    %swap3A_364 = arith.constant 0 : index
    %swap3A_365 = arith.constant 2048 : index
    %swap3A_366 = vector.load %arg16[%swap3A_364, %swap3A_365] : memref<1x2528xf32, #tpu.memory_space<vmem>>, vector<1x32xf32>
    tpu.vector_store %arg16[%swap3A_364, %swap3A_365], %slice3A_363 {strides = array<i32>} : memref<1x2528xf32, #tpu.memory_space<vmem>>, vector<1x32xf32>,
    %slice3A_367 = vector.extract_strided_slice %concatenate3A {offsets = [65, 0], sizes = [1, 32], strides = [1, 1]} : vector<79x32xf32> to vector<1x32xf32>
    %swap3A_368 = arith.constant 0 : index
    %swap3A_369 = arith.constant 2080 : index
    %swap3A_370 = vector.load %arg16[%swap3A_368, %swap3A_369] : memref<1x2528xf32, #tpu.memory_space<vmem>>, vector<1x32xf32>
    tpu.vector_store %arg16[%swap3A_368, %swap3A_369], %slice3A_367 {strides = array<i32>} : memref<1x2528xf32, #tpu.memory_space<vmem>>, vector<1x32xf32>,
    %slice3A_371 = vector.extract_strided_slice %concatenate3A {offsets = [66, 0], sizes = [1, 32], strides = [1, 1]} : vector<79x32xf32> to vector<1x32xf32>
    %swap3A_372 = arith.constant 0 : index
    %swap3A_373 = arith.constant 2112 : index
    %swap3A_374 = vector.load %arg16[%swap3A_372, %swap3A_373] : memref<1x2528xf32, #tpu.memory_space<vmem>>, vector<1x32xf32>
    tpu.vector_store %arg16[%swap3A_372, %swap3A_373], %slice3A_371 {strides = array<i32>} : memref<1x2528xf32, #tpu.memory_space<vmem>>, vector<1x32xf32>,
    %slice3A_375 = vector.extract_strided_slice %concatenate3A {offsets = [67, 0], sizes = [1, 32], strides = [1, 1]} : vector<79x32xf32> to vector<1x32xf32>
    %swap3A_376 = arith.constant 0 : index
    %swap3A_377 = arith.constant 2144 : index
    %swap3A_378 = vector.load %arg16[%swap3A_376, %swap3A_377] : memref<1x2528xf32, #tpu.memory_space<vmem>>, vector<1x32xf32>
    tpu.vector_store %arg16[%swap3A_376, %swap3A_377], %slice3A_375 {strides = array<i32>} : memref<1x2528xf32, #tpu.memory_space<vmem>>, vector<1x32xf32>,
    %slice3A_379 = vector.extract_strided_slice %concatenate3A {offsets = [68, 0], sizes = [1, 32], strides = [1, 1]} : vector<79x32xf32> to vector<1x32xf32>
    %swap3A_380 = arith.constant 0 : index
    %swap3A_381 = arith.constant 2176 : index
    %swap3A_382 = vector.load %arg16[%swap3A_380, %swap3A_381] : memref<1x2528xf32, #tpu.memory_space<vmem>>, vector<1x32xf32>
    tpu.vector_store %arg16[%swap3A_380, %swap3A_381], %slice3A_379 {strides = array<i32>} : memref<1x2528xf32, #tpu.memory_space<vmem>>, vector<1x32xf32>,
    %slice3A_383 = vector.extract_strided_slice %concatenate3A {offsets = [69, 0], sizes = [1, 32], strides = [1, 1]} : vector<79x32xf32> to vector<1x32xf32>
    %swap3A_384 = arith.constant 0 : index
    %swap3A_385 = arith.constant 2208 : index
    %swap3A_386 = vector.load %arg16[%swap3A_384, %swap3A_385] : memref<1x2528xf32, #tpu.memory_space<vmem>>, vector<1x32xf32>
    tpu.vector_store %arg16[%swap3A_384, %swap3A_385], %slice3A_383 {strides = array<i32>} : memref<1x2528xf32, #tpu.memory_space<vmem>>, vector<1x32xf32>,
    %slice3A_387 = vector.extract_strided_slice %concatenate3A {offsets = [70, 0], sizes = [1, 32], strides = [1, 1]} : vector<79x32xf32> to vector<1x32xf32>
    %swap3A_388 = arith.constant 0 : index
    %swap3A_389 = arith.constant 2240 : index
    %swap3A_390 = vector.load %arg16[%swap3A_388, %swap3A_389] : memref<1x2528xf32, #tpu.memory_space<vmem>>, vector<1x32xf32>
    tpu.vector_store %arg16[%swap3A_388, %swap3A_389], %slice3A_387 {strides = array<i32>} : memref<1x2528xf32, #tpu.memory_space<vmem>>, vector<1x32xf32>,
    %slice3A_391 = vector.extract_strided_slice %concatenate3A {offsets = [71, 0], sizes = [1, 32], strides = [1, 1]} : vector<79x32xf32> to vector<1x32xf32>
    %swap3A_392 = arith.constant 0 : index
    %swap3A_393 = arith.constant 2272 : index
    %swap3A_394 = vector.load %arg16[%swap3A_392, %swap3A_393] : memref<1x2528xf32, #tpu.memory_space<vmem>>, vector<1x32xf32>
    tpu.vector_store %arg16[%swap3A_392, %swap3A_393], %slice3A_391 {strides = array<i32>} : memref<1x2528xf32, #tpu.memory_space<vmem>>, vector<1x32xf32>,
    %slice3A_395 = vector.extract_strided_slice %concatenate3A {offsets = [72, 0], sizes = [1, 32], strides = [1, 1]} : vector<79x32xf32> to vector<1x32xf32>
    %swap3A_396 = arith.constant 0 : index
    %swap3A_397 = arith.constant 2304 : index
    %swap3A_398 = vector.load %arg16[%swap3A_396, %swap3A_397] : memref<1x2528xf32, #tpu.memory_space<vmem>>, vector<1x32xf32>
    tpu.vector_store %arg16[%swap3A_396, %swap3A_397], %slice3A_395 {strides = array<i32>} : memref<1x2528xf32, #tpu.memory_space<vmem>>, vector<1x32xf32>,
    %slice3A_399 = vector.extract_strided_slice %concatenate3A {offsets = [73, 0], sizes = [1, 32], strides = [1, 1]} : vector<79x32xf32> to vector<1x32xf32>
    %swap3A_400 = arith.constant 0 : index
    %swap3A_401 = arith.constant 2336 : index
    %swap3A_402 = vector.load %arg16[%swap3A_400, %swap3A_401] : memref<1x2528xf32, #tpu.memory_space<vmem>>, vector<1x32xf32>
    tpu.vector_store %arg16[%swap3A_400, %swap3A_401], %slice3A_399 {strides = array<i32>} : memref<1x2528xf32, #tpu.memory_space<vmem>>, vector<1x32xf32>,
    %slice3A_403 = vector.extract_strided_slice %concatenate3A {offsets = [74, 0], sizes = [1, 32], strides = [1, 1]} : vector<79x32xf32> to vector<1x32xf32>
    %swap3A_404 = arith.constant 0 : index
    %swap3A_405 = arith.constant 2368 : index
    %swap3A_406 = vector.load %arg16[%swap3A_404, %swap3A_405] : memref<1x2528xf32, #tpu.memory_space<vmem>>, vector<1x32xf32>
    tpu.vector_store %arg16[%swap3A_404, %swap3A_405], %slice3A_403 {strides = array<i32>} : memref<1x2528xf32, #tpu.memory_space<vmem>>, vector<1x32xf32>,
    %slice3A_407 = vector.extract_strided_slice %concatenate3A {offsets = [75, 0], sizes = [1, 32], strides = [1, 1]} : vector<79x32xf32> to vector<1x32xf32>
    %swap3A_408 = arith.constant 0 : index
    %swap3A_409 = arith.constant 2400 : index
    %swap3A_410 = vector.load %arg16[%swap3A_408, %swap3A_409] : memref<1x2528xf32, #tpu.memory_space<vmem>>, vector<1x32xf32>
    tpu.vector_store %arg16[%swap3A_408, %swap3A_409], %slice3A_407 {strides = array<i32>} : memref<1x2528xf32, #tpu.memory_space<vmem>>, vector<1x32xf32>,
    %slice3A_411 = vector.extract_strided_slice %concatenate3A {offsets = [76, 0], sizes = [1, 32], strides = [1, 1]} : vector<79x32xf32> to vector<1x32xf32>
    %swap3A_412 = arith.constant 0 : index
    %swap3A_413 = arith.constant 2432 : index
    %swap3A_414 = vector.load %arg16[%swap3A_412, %swap3A_413] : memref<1x2528xf32, #tpu.memory_space<vmem>>, vector<1x32xf32>
    tpu.vector_store %arg16[%swap3A_412, %swap3A_413], %slice3A_411 {strides = array<i32>} : memref<1x2528xf32, #tpu.memory_space<vmem>>, vector<1x32xf32>,
    %slice3A_415 = vector.extract_strided_slice %concatenate3A {offsets = [77, 0], sizes = [1, 32], strides = [1, 1]} : vector<79x32xf32> to vector<1x32xf32>
    %swap3A_416 = arith.constant 0 : index
    %swap3A_417 = arith.constant 2464 : index
    %swap3A_418 = vector.load %arg16[%swap3A_416, %swap3A_417] : memref<1x2528xf32, #tpu.memory_space<vmem>>, vector<1x32xf32>
    tpu.vector_store %arg16[%swap3A_416, %swap3A_417], %slice3A_415 {strides = array<i32>} : memref<1x2528xf32, #tpu.memory_space<vmem>>, vector<1x32xf32>,
    %slice3A_419 = vector.extract_strided_slice %concatenate3A {offsets = [78, 0], sizes = [1, 32], strides = [1, 1]} : vector<79x32xf32> to vector<1x32xf32>
    %swap3A_420 = arith.constant 0 : index
    %swap3A_421 = arith.constant 2496 : index
    %swap3A_422 = vector.load %arg16[%swap3A_420, %swap3A_421] : memref<1x2528xf32, #tpu.memory_space<vmem>>, vector<1x32xf32>
    tpu.vector_store %arg16[%swap3A_420, %swap3A_421], %slice3A_419 {strides = array<i32>} : memref<1x2528xf32, #tpu.memory_space<vmem>>, vector<1x32xf32>,
    %get3A_423 = arith.constant 0 : index
    %get3A_424 = arith.constant 0 : index
    %get3A_425 = vector.load %arg16[%get3A_423, %get3A_424] : memref<1x2528xf32, #tpu.memory_space<vmem>>, vector<1x2528xf32>
    %get3A_426 = arith.constant 0 : index
    %get3A_427 = arith.constant 0 : index
    %get3A_428 = vector.load %arg10[%get3A_426, %get3A_427] : memref<256x2528xf32, #tpu.memory_space<vmem>>, vector<256x2528xf32>
    %dot_general3A_429 = arith.constant dense<0.000000e+00> : vector<1x256xf32>
    %dot_general3A_430 = tpu.matmul %get3A_425, %get3A_428, %dot_general3A_429 {dimension_numbers = #tpu.dot_dimension_numbers<[1], [1], [0], [0], [0, 0, 1, 0], [], []>, transpose_lhs_hint = false} : vector<1x2528xf32>, vector<256x2528xf32>, vector<1x256xf32> -> vector<1x256xf32>
    %get3A_431 = arith.constant 0 : index
    %get3A_432 = arith.constant 0 : index
    %get3A_433 = vector.load %arg11[%get3A_431, %get3A_432] : memref<3x256xf32, #tpu.memory_space<vmem>>, vector<1x256xf32>
    %add3A_434 = arith.addf %dot_general3A_430, %get3A_433 : vector<1x256xf32>
    %reduce_sum3A_435 = vector.shape_cast %add3A_434 : vector<1x256xf32> to vector<1x1x256xf32>
    %reduce_sum3A_436 = arith.constant dense<0.000000e+00> : vector<1xf32>
    %reduce_sum3A_437 = vector.multi_reduction <add>, %reduce_sum3A_435, %reduce_sum3A_436 [1, 2] : vector<1x1x256xf32> to vector<1xf32>
    %reduce_sum3A_438 = vector.shape_cast %reduce_sum3A_437 : vector<1xf32> to vector<1x1x1xf32>
    %reduce_sum3A_439 = vector.extract %reduce_sum3A_438[0, 0, 0] : f32 from vector<1x1x1xf32>
    %div3A_440 = arith.constant 2.560000e+02 : f32
    %div3A_441 = arith.divf %reduce_sum3A_439, %div3A_440 : f32
    %sub3A_442 = vector.broadcast %div3A_441 : f32 to vector<1x256xf32>
    %sub3A_443 = arith.subf %add3A_434, %sub3A_442 : vector<1x256xf32>
    %integer_pow3A = arith.mulf %sub3A_443, %sub3A_443 : vector<1x256xf32>
    %reduce_sum3A_444 = vector.shape_cast %integer_pow3A : vector<1x256xf32> to vector<1x1x256xf32>
    %reduce_sum3A_445 = arith.constant dense<0.000000e+00> : vector<1xf32>
    %reduce_sum3A_446 = vector.multi_reduction <add>, %reduce_sum3A_444, %reduce_sum3A_445 [1, 2] : vector<1x1x256xf32> to vector<1xf32>
    %reduce_sum3A_447 = vector.shape_cast %reduce_sum3A_446 : vector<1xf32> to vector<1x1x1xf32>
    %reduce_sum3A_448 = vector.extract %reduce_sum3A_447[0, 0, 0] : f32 from vector<1x1x1xf32>
    %div3A_449 = arith.constant 2.560000e+02 : f32
    %div3A_450 = arith.divf %reduce_sum3A_448, %div3A_449 : f32
    %sub3A_451 = vector.broadcast %div3A_441 : f32 to vector<1x256xf32>
    %sub3A_452 = arith.subf %add3A_434, %sub3A_451 : vector<1x256xf32>
    %add3A_453 = arith.constant 9.99999974E-6 : f32
    %add3A_454 = arith.addf %div3A_450, %add3A_453 : f32
    %sqrt3A = math.sqrt %add3A_454 : f32
    %div3A_455 = vector.broadcast %sqrt3A : f32 to vector<1x256xf32>
    %div3A_456 = arith.divf %sub3A_452, %div3A_455 : vector<1x256xf32>
    %get3A_457 = arith.constant 1 : index
    %get3A_458 = arith.constant 0 : index
    %get3A_459 = vector.load %arg11[%get3A_457, %get3A_458] : memref<3x256xf32, #tpu.memory_space<vmem>>, vector<1x256xf32>
    %mul3A = arith.mulf %div3A_456, %get3A_459 : vector<1x256xf32>
    %get3A_460 = arith.constant 2 : index
    %get3A_461 = arith.constant 0 : index
    %get3A_462 = vector.load %arg11[%get3A_460, %get3A_461] : memref<3x256xf32, #tpu.memory_space<vmem>>, vector<1x256xf32>
    %add3A_463 = arith.addf %mul3A, %get3A_462 : vector<1x256xf32>
    %ge3A = arith.constant 0.000000e+00 : f32
    %ge3A_464 = vector.broadcast %ge3A : f32 to vector<1x256xf32>
    %ge3A_465 = arith.cmpf oge, %add3A_463, %ge3A_464 : vector<1x256xf32>
    %get3A_466 = arith.constant 0 : index
    %get3A_467 = arith.constant 0 : index
    %get3A_468 = vector.load %arg12[%get3A_466, %get3A_467] : memref<1x1xf32, #tpu.memory_space<vmem>>, vector<1x1xf32>
    %get3A_469 = vector.extract %get3A_468[0, 0] : f32 from vector<1x1xf32>
    %mul3A_470 = vector.broadcast %get3A_469 : f32 to vector<1x256xf32>
    %mul3A_471 = arith.mulf %mul3A_470, %add3A_463 : vector<1x256xf32>
    %select_n3A = arith.select %ge3A_465, %add3A_463, %mul3A_471 : vector<1x256xi1>, vector<1x256xf32>
    %get3A_472 = arith.constant 0 : index
    %get3A_473 = arith.constant 0 : index
    %get3A_474 = vector.load %arg13[%get3A_472, %get3A_473] : memref<5x256xf32, #tpu.memory_space<vmem>>, vector<5x256xf32>
    %dot_general3A_475 = arith.constant dense<0.000000e+00> : vector<1x5xf32>
    %dot_general3A_476 = tpu.matmul %select_n3A, %get3A_474, %dot_general3A_475 {dimension_numbers = #tpu.dot_dimension_numbers<[1], [1], [0], [0], [0, 0, 1, 0], [], []>, transpose_lhs_hint = false} : vector<1x256xf32>, vector<5x256xf32>, vector<1x5xf32> -> vector<1x5xf32>
    %get3A_477 = arith.constant 0 : index
    %get3A_478 = arith.constant 0 : index
    %get3A_479 = vector.load %arg14[%get3A_477, %get3A_478] : memref<1x5xf32, #tpu.memory_space<vmem>>, vector<1x5xf32>
    %add3A_480 = arith.addf %dot_general3A_476, %get3A_479 : vector<1x5xf32>
    %abs3A = math.absf %add3A_480 : vector<1x5xf32>
    %neg3A = arith.constant 0.000000e+00 : f32
    %neg3A_481 = vector.broadcast %neg3A : f32 to vector<1x5xf32>
    %neg3A_482 = arith.subf %neg3A_481, %abs3A : vector<1x5xf32>
    %exp3A = math.exp %neg3A_482 : vector<1x5xf32>
    %log1p3A = math.log1p %exp3A : vector<1x5xf32>
    %max3A_483 = arith.constant 0.000000e+00 : f32
    %max3A_484 = vector.broadcast %max3A_483 : f32 to vector<1x5xf32>
    %max3A_485 = arith.maximumf %add3A_480, %max3A_484 : vector<1x5xf32>
    %add3A_486 = arith.addf %log1p3A, %max3A_485 : vector<1x5xf32>
    %swap3A_487 = arith.constant 0 : index
    %swap3A_488 = arith.constant 0 : index
    %swap3A_489 = vector.load %arg15[%swap3A_487, %swap3A_488] : memref<1x5xf32, #tpu.memory_space<vmem>>, vector<1x5xf32>
    tpu.vector_store %arg15[%swap3A_487, %swap3A_488], %add3A_486 {strides = array<i32>} : memref<1x5xf32, #tpu.memory_space<vmem>>, vector<1x5xf32>,
    return
  }
}

</mosaic_0001>

<sc_bundles>
// kernel: kernel.4.cloned.1.call-start
scs
__scs_entry_jumppad:
0x0: {  	(pc) =	sbr.rel $0x88, $3  }
0x1: {  	(tag) =	ssettag $0x0;
	lr =	simm.s32 $0x1  }
0x2: {  	[smem:$0x3F8F] =	sst lr;
	_ =	strace $0xD0000000  }
0x3: {  	_ = 	snop  }
0x4: {  	_ = 	snop  }
0x5: {  	_ = 	snop  }
0x6: {  	_ = 	snop  }
0x7: {  	_ = 	snop  }
__scs_overlays_trampoline_lowered:
0x8: {  	[smem:$0x3F9E] =	sst s0  }
0x9: {  	[smem:$0x3F9F] =	sst s1  }
0xa: {  	[smem:$0x3FA0] =	sst s2  }
0xb: {  	[smem:$0x3FA1] =	sst s3  }
0xc: {  	[smem:$0x3FA2] =	sst s4  }
0xd: {  	[smem:$0x3FA3] =	sst s5  }
0xe: {  	[smem:$0x3FA4] =	sst s6  }
0xf: {  	[smem:$0x3FA5] =	sst s7  }
0x10: {  	[smem:$0x3FA6] =	sst s8  }
0x11: {  	[smem:$0x3FA7] =	sst s9;
	s0 =	simm.s32 @!p0 $0x0  }
0x12: {  	s1 =	sld [smem:$0x3F8D];
	s0 =	simm.s32 @p0 $0x1  }
0x13: {  	[smem:$0x3FA8] =	sst s0;
	s0 =	simm.s32 @!p1 $0x0  }
0x14: {  	s2 =	sld [smem:$0x3F8C];
	s0 =	simm.s32 @p1 $0x1  }
0x15: {  	[smem:$0x3FA9] =	sst s0;
	s0 =	simm.s32 @!p2 $0x0  }
0x16: {  	s3 =	sld [smem:$0x3FDB];
	s0 =	simm.s32 @p2 $0x1  }
0x17: {  	s4 =	simm.s32 $0x1BF5;
	[smem:$0x3FAB] =	sst s0  }
0x18: {  	s0 =	sld [smem:$0x3F8E];
	_ =	swait.ge [sflag:s4], $0x0  }
0x19: {  	s7 =	sld [smem:$0x3F8F]  }
0x1a: {  	s8 =	sadd.s32 $0xFFFFE003, lr  }
0x1b: {  	s9 =	sadd.s32 $0xFFFFFEF7, lr;
	s5 =	simm.s32 $0xFFFFFFFF;
	p2 =	slt.u32 s8, $0xFFFFF086  }
0x1c: {  	p1 =	slt.u32 s9, $0xF7A;
	s5 =	simm.s32 @!p2 $0x0  }
0x1d: {  	s5 =	simm.s32 @p1 $0x1;
	p0 =	seq.s32 s7, s2  }
0x1e: {  	s7 =	smul.u32 @!p0 $0xF7A, s2;
	p2 =	seq.s32 @!p0 s5, $0x0  }
0x1f: {  	s9 =	smul.u32 $0xF7A, s1;
	s8 =	simm.s32 @!p0 $0x1BF5;
	p2 =	por !p2, p0  }
0x20: {  	[sflag:s8] =	ssyncset.s32 @!p0 $0xFFFFF086;
	s6 =	sadd.s32 @!p0 s3, s7;
	s7 =	simm.s32 @!p0 $0x108  }
0x21: {  	s3 =	sadd.s32 s3, s9;
	s6 =	sadd.s32 @!p0 $0x88, s6;
	s7 =	simm.s32 @p2 $0x1082  }
0x22: {  	[simem:s7], [sflag:s8] =	dma.local @!p0 [hbm:s6], $0xF7A  }
0x23: {  	s9 =	sor.u32 $0xD0000000, s2;
	s6 =	simm.s32 $0x108;
	_ =	swait.ge @!p0 [sflag:s8], $0x0  }
0x24: {  	s3 =	sadd.s32 $0x88, s3;
	s6 =	simm.s32 @!p1 $0x1082;
	[sflag:s4] =	ssyncset.s32 $0xFFFFF086  }
0x25: {  	[simem:s6], [sflag:s4] =	dma.local [hbm:s3], $0xF7A  }
0x26: {  	[smem:$0x3F8F] =	sst s1;
	(tag) =	ssettag s2;
	_ =	strace s9  }
0x27: {  	s1 =	sld [smem:$0x3F9F]  }
0x28: {  	s2 =	sld [smem:$0x3FA0]  }
0x29: {  	s4 =	sld [smem:$0x3FA2]  }
0x2a: {  	p0 =	seq.s32 s5, $0x0;
	s5 =	sld [smem:$0x3FA3]  }
0x2b: {  	s6 =	sld [smem:$0x3FA4]  }
0x2c: {  	s7 =	sld [smem:$0x3FA5]  }
0x2d: {  	s3 =	simm.s32 $0x108;
	s8 =	sld [smem:$0x3FA6]  }
0x2e: {  	s3 =	simm.s32 @!p0 $0x1082;
	s9 =	sld [smem:$0x3FA7]  }
0x2f: {  	lr =	sadd.s32 s0, s3;
	s0 =	sld [smem:$0x3F9E]  }
0x30: {  	s3 =	sld [smem:$0x3FA1]  }
0x31: {  	[smem:$0x3FAA] =	sst s10  }
0x32: {  	s10 =	sld [smem:$0x3FA8];
	_ =	sdelay $0x3  }
0x33: {  	p0 =	seq.s32 s10, $0x1;
	s10 =	sld [smem:$0x3FAA];
	_ =	sdelay $0x3  }
0x34: {  	[smem:$0x3FAA] =	sst s10  }
0x35: {  	s10 =	sld [smem:$0x3FA9];
	_ =	sdelay $0x3  }
0x36: {  	p1 =	seq.s32 s10, $0x1;
	s10 =	sld [smem:$0x3FAA];
	_ =	sdelay $0x3  }
0x37: {  	[smem:$0x3FAA] =	sst s10  }
0x38: {  	s10 =	sld [smem:$0x3FAB]  }
0x39: {  	_ = 	snop;
	(pc) =	sbr.ind lr, $3  }
0x3a: {  	_ = 	snop  }
0x3b: {  	_ = 	snop  }
0x3c: {  	p2 =	seq.s32 s10, $0x1;
	s10 =	sld [smem:$0x3FAA]  }
0x3d: {  	_ =	shalt  }
0x3e: {  	_ =	shalt  }
0x3f: {  	_ =	shalt  }
0x40: {  	_ =	shalt  }
0x41: {  	_ =	shalt  }
0x42: {  	_ =	shalt  }
0x43: {  	_ =	shalt  }
0x44: {  	_ =	shalt  }
0x45: {  	_ =	shalt  }
0x46: {  	_ =	shalt  }
0x47: {  	_ =	shalt  }
0x48: {  	_ =	shalt  }
0x49: {  	_ =	shalt  }
0x4a: {  	_ =	shalt  }
0x4b: {  	_ =	shalt  }
0x4c: {  	_ =	shalt  }
0x4d: {  	_ =	shalt  }
0x4e: {  	_ =	shalt  }
0x4f: {  	_ =	shalt  }
0x50: {  	_ =	shalt  }
0x51: {  	_ =	shalt  }
0x52: {  	_ =	shalt  }
0x53: {  	_ =	shalt  }
0x54: {  	_ =	shalt  }
0x55: {  	_ =	shalt  }
0x56: {  	_ =	shalt  }
0x57: {  	_ =	shalt  }
0x58: {  	_ =	shalt  }
0x59: {  	_ =	shalt  }
0x5a: {  	_ =	shalt  }
0x5b: {  	_ =	shalt  }
0x5c: {  	_ =	shalt  }
0x5d: {  	_ =	shalt  }
0x5e: {  	_ =	shalt  }
0x5f: {  	_ =	shalt  }
0x60: {  	_ =	shalt  }
0x61: {  	_ =	shalt  }
0x62: {  	_ =	shalt  }
0x63: {  	_ =	shalt  }
0x64: {  	_ =	shalt  }
0x65: {  	_ =	shalt  }
0x66: {  	_ =	shalt  }
0x67: {  	_ =	shalt  }
0x68: {  	_ =	shalt  }
0x69: {  	_ =	shalt  }
0x6a: {  	_ =	shalt  }
0x6b: {  	_ =	shalt  }
0x6c: {  	_ =	shalt  }
0x6d: {  	_ =	shalt  }
0x6e: {  	_ =	shalt  }
0x6f: {  	_ =	shalt  }
0x70: {  	_ =	shalt  }
0x71: {  	_ =	shalt  }
0x72: {  	_ =	shalt  }
0x73: {  	_ =	shalt  }
0x74: {  	_ =	shalt  }
0x75: {  	_ =	shalt  }
0x76: {  	_ =	shalt  }
0x77: {  	_ =	shalt  }
0x78: {  	_ =	shalt  }
0x79: {  	_ =	shalt  }
0x7a: {  	_ =	shalt  }
0x7b: {  	_ =	shalt  }
0x7c: {  	_ =	shalt  }
0x7d: {  	_ =	shalt  }
0x7e: {  	_ =	shalt  }
0x7f: {  	_ =	shalt  }
0x80: {  	_ =	shalt  }
0x81: {  	_ =	shalt  }
0x82: {  	_ =	shalt  }
0x83: {  	_ =	shalt  }
0x84: {  	_ =	shalt  }
0x85: {  	_ =	shalt  }
0x86: {  	_ =	shalt  }
0x87: {  	_ =	shalt  }
.Lfunc_end0:
.L_simem_size_0:
called_computation_lowered:
.L_overlay_start_0:
0x88: {  	s2 =	sld [smem:$0x3FD9]  }
0x89: {  	s3 =	sld [smem:$0x3FFE];
	_ =	sdelay $0x1  }
0x8a: {  	s1 =	srdreg.scid  }
0x8b: {  	s0 =	sand.u32 $0x1, s1  }
0x8c: {  	s16 =	sshll.u32 s0, $0xA;
	s2 =	sadd.s32 s3, s2  }
0x8d: {  	s2 =	sadd.s32 s2, s16  }
0x8e: {  	[smem:$0x3FB6] =	sst s2  }
0x8f: {  	_ = 	snop  }
0x90: {  	(tm) =	ssettm $0x1  }
0x91: {  	s17 =	sld [smem:$0x3FFB];
	_ =	sdelay $0x3  }
0x92: {  	_ =	strace s17  }
0x93: {  	s2 =	sld [smem:$0x3FFC];
	_ =	sdelay $0x3  }
0x94: {  	_ =	strace s2  }
0x95: {  	s2 =	sld [smem:$0x3FFD];
	_ =	sdelay $0x3  }
0x96: {  	_ =	strace s2  }
0x97: {  	_ =	strace $0x8FFFFFFF  }
0x98: {  	s18 =	sld [smem:$0x3FDB];
	_ =	sdelay $0x1  }
0x99: {  	s19 =	simm.s32 $_scs_section_size  }
0x9a: {  	s4 =	simm.s32 $_size__tile_overlayer_lowered;
	s5 =	simm.s32 $_tile_overlayer_lowered  }
0x9b: {  	s22 =	simm.s32 $0x1BFF;
	s21 =	sshll.u32 s5, $0x1;
	s2 =	sadd.s32 s19, s18  }
0x9c: {  	s6 =	simm.s32 $0x0;
	s20 =	sshll.u32 s4, $0x1;
	s4 =	sadd.s32 s21, s2  }
0x9d: {  	[timem:s6], [sflag:s22] =	dma.local [hbm:s4], s20  }
0x9e: {  	_ =	swait.ge [sflag:s22], s20  }
0x9f: {  	s3 =	ssub.s32 $0x0, s20;
	[sflag:s22] =	ssyncset.done $0x0  }
0xa0: {  	[sflag:s22] =	ssyncadd.s32 s3;
	_ =	sdelay $0x1  }
0xa1: {  	s23 =	simm.s32 $0x1B8B  }
0xa2: {  	_ =	swait.ge [sflag:s23], $0x1  }
0xa3: {  	[sflag:s23] =	ssyncset.done $0x0  }
0xa4: {  	s25 =	simm.s32 $0x1B8E;
	s24 =	sld [smem:$0x3FFE];
	[sflag:s23] =	ssyncadd.s32 $0xFFFFFFFF  }
0xa5: {  	s26 =	simm.s32 $execute0_lowered;
	[smem:$0x3FD2] =	sst s25  }
0xa6: {  	s4 =	sshll.u32 s26, $0x1;
	_ =	strace $0x80000046;
	[dreg:$0x1] =	wrdreg $0xFFFFFFFF  }
0xa7: {  	s28 =	simm.s32 $_size_execute0_lowered;
	s2 =	sadd.s32 s2, s4;
	[dreg:$0x0] =	wrdreg $0x0  }
0xa8: {  	s4 =	sshll.u32 s28, $0x1;
	[dreg:$0x2] =	wrdreg s2  }
0xa9: {  	[dreg:$0x3] =	wrdreg s4  }
0xaa: {  	[dreg:$0x4] =	wrdreg $0xC0  }
0xab: {  	_ =	task [dreg:s6], $0x5FFFF  }
0xac: {  	[dreg:$0x1] =	wrdreg $0xFFFFFFFF  }
0xad: {  	[dreg:$0x0] =	wrdreg $0x60  }
0xae: {  	[dreg:$0x2] =	wrdreg s24  }
0xaf: {  	[dreg:$0x3] =	wrdreg $0x9  }
0xb0: {  	_ =	task.clear_ibuf [dreg:s6], $0x4FFFF;
	_ =	strace $0x90000046  }
0xb1: {  	s29 =	simm.s32 $0x9;
	_ =	strace $0x80000048  }
0xb2: {  	_ =	swait.ge [sflag:s29], $0x1  }
0xb3: {  	[sflag:s29] =	ssyncadd.s32 $0xFFFFFFFF  }
0xb4: {  	_ =	strace $0x90000048  }
0xb5: {  	_ =	sfence  }
0xb6: {  	s30 =	sld [smem:$0x0];
	_ =	sdelay $0x2  }
0xb7: {  	s31 =	sshll.u32 s1, $0xD;
	s1 =	sshrl.u32 s1, $0x2  }
0xb8: {  	s3 =	sand.u32 $0x4000, s31;
	s1 =	sadd.s32 s1, s30  }
0xb9: {  	s0 =	sor.u32 s3, s0;
	s1 =	sshll.u32 s1, $0x11  }
0xba: {  	s0 =	sor.u32 s1, s0  }
0xbb: {  	s0 =	sadd.s32 $0x8F2B, s0  }
0xbc: {  	[sflag:s0] =	ssyncadd.remote.s32 $0x1  }
0xbd: {  	_ =	sfence.sel $0xFFFF  }
0xbe: {  	[dreg:$0x0] =	wrdreg $0xFFFFFFFF;
	(pc) =	sbr.abs _section_cstart, $3  }
0xbf: {  	[dreg:$0x1] =	wrdreg $0xFFFFFFFF  }
0xc0: {  	_ =	task.clear_ibuf [dreg:s6], $0x2FFFF;
	_ =	strace $0x9FFFFFFF  }
0xc1: {  	(tm) =	ssettm $0x7FFFFFFF  }
tec
execute0_lowered:
.L_overlay_start_1:
0x0: {  	(tag) =	ssettag $0x1  }
0x1: {  	s1 =	srdreg.scid  }
0x2: {  	s0 =	stileid.u32;
	s4 =	rddreg [dreg:$0x0];
	s2 =	simm.s32 $0x0  }
0x3: {  	s11 =	simm.s32 $0x4E20;
	s12 =	simm.s32 $0x1;
	s13 =	simm.s32 $0x80  }
0x4: {  	s14 =	simm.s32 $0x75D0;
	s5 =	sand.u32 $0x1, s1;
	s3 =	sshll.u32 s0, $0x1  }
0x5: {  	s15 =	simm.s32 $0x7650;
	s16 =	simm.s32 $0x8650;
	s6 =	sor.u32 s5, s3  }
0x6: {  	s17 =	simm.s32 $0x3;
	s18 =	simm.s32 $0x9970;
	s7 =	smul.u32 $0x2710, s6  }
0x7: {  	s19 =	simm.s32 $0x0;
	[smem:$0x7FF] =	sst s2;
	s8 =	smul.u32 $0x264, s6  }
0x8: {  	_ =	strace $0x80000047;
	s5 =	ssub.s32 $0x2, s5;
	s6 =	smul.u32 $0x594, s6  }
.Ltmp0:
0x9: {  	s3 =	sadd.s32 $0x2A00, s4;
	s9 =	sshrl.u32 s5, $0x1;
	(pc) =	sbr.rel .LBB2_1-.Ltmp0, $4  }
0xa: {  	s9 =	ssub.s32 s5, s9;
	s7 =	sshrl.u32 s7, $0x3;
	s8 =	sadd.s32 s8, s4  }
0xb: {  	s10 =	sadd.s32 s6, s4;
	s7 =	sadd.s32 s7, s4;
	s6 =	sadd.s32 $0x2B600, s8  }
0xc: {  	v0 =	vimm.f32 $0.0e+00;
	vm0 =	vcmask $0x300;
	s8 =	smax.u32 s9, $0x1;
	s9 =	simm.s32 $0x2710;
	s4 =	sadd.s32 $0xC800, s7  }
0xd: {  	v1 =	vimm.s32 $0x0;
	v3 =	vlaneseq.u32;
	v2 =	vsel vm0, $0x3F800000, v0;
	s5 =	sadd.s32 $0x16440, s7;
	s7 =	sadd.s32 $0x20200, s10;
	s10 =	simm.s32 $0x2  }
.LBB2_11:
0xe: {  	[hbm4b:s6+s2] =	stream.linear.scatter [tilespmem:s16], [sflag:$0x3], $0x1320, $0x38;
	[tilespmem:$0xC610] =	vst v63  }
0xf: {  	s19 =	sadd.s32 $0x1, s19;
	_ =	swait.ge [sflag:s17], $0x1320  }
0x10: {  	p0 =	sne.s32 s19, s8;
	[sflag:s17] =	ssyncset.done $0x0  }
.Ltmp1:
0x11: {  	[sflag:s17] =	ssyncadd.s32 $0xFFFFECE0;
	(pc) =	sbr.rel @!p0 .LBB2_12-.Ltmp1, $4  }
0x12: {  	[hbm4b:s7+s2] =	stream.linear.scatter [tilespmem:s18], [sflag:$0x3], $0x2CA0, $0x38;
	[tilespmem:$0xC610] =	vst v63  }
0x13: {  	_ =	swait.ge [sflag:s17], $0x2CA0  }
0x14: {  	[sflag:s17] =	ssyncset.done $0x0  }
0x15: {  	[sflag:s17] =	ssyncadd.s32 $0xFFFFD360  }
.LBB2_1:
0x16: {  	[tilespmem:s2], [sflag:$0x2] =	stream.linear.gather [hbm4b:s4+s2], $0x2710, $0x38;
	[tilespmem:$0xC610] =	vst v63  }
0x17: {  	s21 =	simm.s32 $0x8680  }
0x18: {  	[tilespmem:s9], [sflag:$0x2] =	stream.linear.gather [hbm4b:s5+s2], $0x2710, $0x38;
	[tilespmem:$0xC610] =	vst v63  }
0x19: {  	[tilespmem:s21+$0xFFFFFFD0] =	vst v0  }
0x1a: {  	[tilespmem:s21+$0xFFFFFFF0] =	vst v0  }
0x1b: {  	s20 =	simm.s32 $0x99E0;
	[tilespmem:s21+$0xFFFFFFE0] =	vst v0  }
0x1c: {  	[tilespmem:s20+$0xFFFFFFF0] =	vst v0  }
0x1d: {  	s23 =	simm.s32 $0x0;
	s24 =	simm.s32 $0x99E0;
	s22 =	simm.s32 $0x8680;
	[tilespmem:s20+$0xFFFFFFE0] =	vst v0  }
.LBB2_2:
0x1e: {  	s23 =	sadd.s32 $0x2, s23;
	[tilespmem:s20+$0xFFFFFFD0] =	vst v0;
	s21 =	sadd.s32 $0x60, s21;
	s24 =	sadd.s32 $0xE0, s24  }
0x1f: {  	p0 =	slt.u32 s23, $0x64;
	[tilespmem:s20+$0xFFFFFFC0] =	vst v0  }
0x20: {  	[tilespmem:s20+$0xFFFFFFB0] =	vst v0  }
0x21: {  	[tilespmem:s20+$0xFFFFFFA0] =	vst v0  }
0x22: {  	[tilespmem:s20+$0xFFFFFF90] =	vst v0  }
0x23: {  	[tilespmem:s22+$0x0] =	vst v0  }
0x24: {  	[tilespmem:s22+$0x10] =	vst v0  }
0x25: {  	[tilespmem:s22+$0x20] =	vst v0;
	s22 =	smov.u32 s21  }
0x26: {  	[tilespmem:s20+$0x0] =	vst v0  }
0x27: {  	[tilespmem:s20+$0x60] =	vst v0  }
0x28: {  	[tilespmem:s20+$0x50] =	vst v0  }
0x29: {  	[tilespmem:s20+$0x40] =	vst v0  }
0x2a: {  	[tilespmem:s20+$0x30] =	vst v0  }
0x2b: {  	[tilespmem:s20+$0x10] =	vst v0  }
0x2c: {  	[tilespmem:s20+$0x20] =	vst v0;
	s20 =	smov.u32 s24  }
.Ltmp2:
0x2d: {  	[tilespmem:s21+$0xFFFFFFD0] =	vst v0;
	(pc) =	sbr.rel @p0 .LBB2_2-.Ltmp2, $4  }
0x2e: {  	[tilespmem:s21+$0xFFFFFFF0] =	vst v0  }
0x2f: {  	[tilespmem:s21+$0xFFFFFFE0] =	vst v0  }
0x30: {  	[tilespmem:s24+$0xFFFFFFF0] =	vst v0  }
0x31: {  	[tilespmem:s24+$0xFFFFFFE0] =	vst v0  }
0x32: {  	[tilespmem:s20+$0xFFFFFFD0] =	vst v0  }
0x33: {  	[tilespmem:s20+$0xFFFFFFC0] =	vst v0  }
0x34: {  	[tilespmem:s20+$0xFFFFFFB0] =	vst v0  }
0x35: {  	[tilespmem:s20+$0xFFFFFFA0] =	vst v0  }
0x36: {  	[tilespmem:s20+$0xFFFFFF90] =	vst v0  }
0x37: {  	[tilespmem:s22+$0x0] =	vst v0  }
0x38: {  	[tilespmem:s22+$0x10] =	vst v0  }
0x39: {  	[tilespmem:s22+$0x20] =	vst v0  }
0x3a: {  	[tilespmem:s20+$0x0] =	vst v0  }
0x3b: {  	[tilespmem:s20+$0x60] =	vst v0  }
0x3c: {  	[tilespmem:s20+$0x50] =	vst v0  }
0x3d: {  	[tilespmem:s20+$0x40] =	vst v0  }
0x3e: {  	[tilespmem:s20+$0x30] =	vst v0  }
0x3f: {  	[tilespmem:s20+$0x10] =	vst v0  }
0x40: {  	[tilespmem:s20+$0x20] =	vst v0  }
0x41: {  	_ =	swait.ge [sflag:s10], $0x2710  }
0x42: {  	[sflag:s10] =	ssyncset.done $0x0  }
0x43: {  	[sflag:s10] =	ssyncadd.s32 $0xFFFFD8F0  }
0x44: {  	_ =	swait.ge [sflag:s10], $0x2710  }
0x45: {  	s21 =	simm.s32 $0x10;
	[sflag:s10] =	ssyncset.done $0x0  }
0x46: {  	v4 =	vimm.s32 $0x0;
	s22 =	simm.s32 $0x2720;
	s20 =	simm.s32 $0xFFFFFFFE;
	[sflag:s10] =	ssyncadd.s32 $0xFFFFD8F0  }
.LBB2_4:
0x47: {  	v5 =	vld [tilespmem:s22+$0xFFFFFFF0];
	_ =	sdelay $0x4  }
0x48: {  	v5 =	vadd.s32 $0xFFFFFFD8, v5  }
0x49: {  	vm0 =	vlt.u32 v5, $0x66  }
0x4a: {  	v6 =	vsel vm0, $0x1, v1  }
0x4b: {  	(xrf0) =	vadd.scan.msk.s32 $0xffff, v6;
	_ =	sdelay $0x5  }
0x4c: {  	v6, _, _ =	vpop (xrf0)  }
0x4d: {  	v6 =	vadd.s32 v6, v4  }
0x4e: {  	v7 =	vld [tilespmem:s21+$0xFFFFFFF0];
	v6 =	vadd.s32 $0xFFFFFFFF, v6  }
0x4f: {  	vm1 =	vgt.s32 v6, $0x0  }
0x50: {  	v6 =	vnsel vm1, $0x0, v6;
	_ =	sdelay $0x2  }
0x51: {  	v7 =	vshll.u32 v7, $0x7  }
0x52: {  	v5 =	vadd.s32 v7, v5  }
0x53: {  	[tilespmem:v6+s11+$0x0] =	vst.idx.msk vm0, v5  }
0x54: {  	v5 =	vld [tilespmem:s22+$0x0];
	_ =	sdelay $0x4  }
0x55: {  	v5 =	vadd.s32 $0xFFFFFFD8, v5  }
0x56: {  	vm14 =	vlt.u32 v5, $0x66  }
0x57: {  	v6 =	vsel vm14, $0x1, v1  }
0x58: {  	(xrf0) =	vadd.scan.msk.s32 $0xffff, v6;
	_ =	sdelay $0x1  }
0x59: {  	v6 =	vmpcnt.ones.xlane vm0;
	_ =	sdelay $0x3  }
0x5a: {  	v4 =	vadd.s32 v4, v6;
	v6, _, _ =	vpop (xrf0)  }
0x5b: {  	v6 =	vadd.s32 v6, v4  }
0x5c: {  	v7 =	vld [tilespmem:s21+$0x0];
	v6 =	vadd.s32 $0xFFFFFFFF, v6  }
0x5d: {  	s20 =	sadd.s32 $0x2, s20;
	vm15 =	vgt.s32 v6, $0x0  }
0x5e: {  	p0 =	slt.u32 s20, $0x26E;
	v6 =	vnsel vm15, $0x0, v6  }
.Ltmp3:
0x5f: {  	_ = 	snop;
	(pc) =	sbr.rel @p0 .LBB2_4-.Ltmp3, $4  }
0x60: {  	_ = 	snop  }
0x61: {  	v7 =	vshll.u32 v7, $0x7;
	v8 =	vmpcnt.ones.xlane vm14  }
0x62: {  	v5 =	vadd.s32 v7, v5  }
0x63: {  	s21 =	sadd.s32 $0x20, s21;
	s22 =	sadd.s32 $0x20, s22;
	v4 =	vadd.s32 v4, v8;
	[tilespmem:v6+s11+$0x0] =	vst.idx.msk vm14, v5  }
0x64: {  	v5 =	vld [tilespmem:$0x4E10];
	_ =	sdelay $0x4  }
0x65: {  	v5 =	vadd.s32 $0xFFFFFFD8, v5  }
0x66: {  	vm0 =	vlt.u32 v5, $0x66  }
0x67: {  	v6 =	vmpcnt.ones.xlane vm0;
	_ =	sdelay $0x1  }
0x68: {  	v6 =	vadd.s32 v4, v6  }
0x69: {  	(v2sf) =	vpush v6, $0x0;
	_ =	sdelay $0x2  }
0x6a: {  	v7 =	vsel vm0, $0x1, v1  }
0x6b: {  	(xrf0) =	vadd.scan.msk.s32 $0xffff, v7;
	_ =	sdelay $0x5  }
0x6c: {  	v62, _, _ =	vpop (xrf0)  }
0x6d: {  	v4 =	vadd.s32 v62, v4  }
0x6e: {  	v63 =	vld [tilespmem:$0x2700];
	v4 =	vadd.s32 $0xFFFFFFFF, v4  }
0x6f: {  	vm1 =	vgt.s32 v4, $0x0  }
0x70: {  	v4 =	vnsel vm1, $0x0, v4  }
0x71: {  	s21 =	spop (v2sf)  }
0x72: {  	s22 =	sadd.s32 $0x7F, s21  }
0x73: {  	s20 =	simm.s32 $0x4E20;
	v6 =	vshll.u32 v63, $0x7;
	s23 =	sand.u32 $0x7F, s22  }
0x74: {  	v5 =	vadd.s32 v6, v5;
	s24 =	sshra.s32 s22, $0x1F;
	p0 =	slt.s32 s22, $0x1;
	p1 =	sne.s32 s23, $0x0  }
0x75: {  	[tilespmem:v4+s20+$0x0] =	vst.idx.msk vm0, v5;
	s31 =	sshrl.u32 s24, $0x19;
	p0 =	por !p0, !p1  }
0x76: {  	[tilespmem:s21+$0x4E20] =	vst v1;
	s23 =	simm.s32 $0x1;
	s22 =	sadd.s32 s31, s22;
	p0 =	por !p0, !p0  }
0x77: {  	[tilespmem:s21+$0x4E30] =	vst v1;
	s22 =	sshra.s32 s22, $0x7;
	s23 =	simm.s32 @!p0 $0x0  }
0x78: {  	[tilespmem:s21+$0x4E40] =	vst v1;
	s22 =	ssub.s32 s22, s23  }
0x79: {  	[tilespmem:s21+$0x4E50] =	vst v1;
	p0 =	slt.s32 s22, $0x1  }
.Ltmp4:
0x7a: {  	[tilespmem:s21+$0x4E60] =	vst v1;
	(pc) =	sbr.rel @!p0 .LBB2_6-.Ltmp4, $4  }
.Ltmp5:
0x7b: {  	[tilespmem:s21+$0x4E70] =	vst v1;
	(pc) =	sbr.rel @p0 .LBB2_11-.Ltmp5, $4  }
0x7c: {  	[tilespmem:s21+$0x4E80] =	vst v1  }
0x7d: {  	[tilespmem:s21+$0x4E90] =	vst v1  }
0x7e: {  	[tilespmem:s21+$0x4EA0] =	vst v1;
	s24 =	smov.u32 s21;
	s23 =	simm.s32 $0x0  }
0x7f: {  	_ = 	snop  }
.LBB2_9:
0x80: {  	[tilespmem:s29+$0x9970] =	vst v4  }
.LBB2_10:
0x81: {  	s23 =	sadd.s32 $0x1, s23  }
0x82: {  	p0 =	sne.s32 s23, s22  }
.Ltmp6:
0x83: {  	_ = 	snop;
	(pc) =	sbr.rel @!p0 .LBB2_11-.Ltmp6, $2  }
0x84: {  	_ =	sdelay $0x2  }
0x85: {  	s24 =	sadd.s32 $0xFFFFFF80, s24;
	s20 =	sadd.s32 $0x80, s20  }
.LBB2_6:
0x86: {  	s25 =	sshll.u32 s23, $0x7  }
0x87: {  	v4 =	vld [tilespmem:s25+$0x4E20];
	_ =	sdelay $0x4  }
0x88: {  	v4 =	vshrl.u32 v4, $0x7  }
0x89: {  	[tilespmem:$0x75D0] =	vst v4  }
0x8a: {  	v4 =	vld [tilespmem:s25+$0x4E30];
	_ =	sdelay $0x4  }
0x8b: {  	v4 =	vshrl.u32 v4, $0x7  }
0x8c: {  	[tilespmem:$0x75E0] =	vst v4  }
0x8d: {  	v4 =	vld [tilespmem:s25+$0x4E40];
	_ =	sdelay $0x4  }
0x8e: {  	v4 =	vshrl.u32 v4, $0x7  }
0x8f: {  	[tilespmem:$0x75F0] =	vst v4  }
0x90: {  	v4 =	vld [tilespmem:s25+$0x4E50];
	_ =	sdelay $0x4  }
0x91: {  	v4 =	vshrl.u32 v4, $0x7  }
0x92: {  	[tilespmem:$0x7600] =	vst v4  }
0x93: {  	v4 =	vld [tilespmem:s25+$0x4E60];
	_ =	sdelay $0x4  }
0x94: {  	v4 =	vshrl.u32 v4, $0x7  }
0x95: {  	[tilespmem:$0x7610] =	vst v4  }
0x96: {  	v4 =	vld [tilespmem:s25+$0x4E70];
	_ =	sdelay $0x4  }
0x97: {  	v4 =	vshrl.u32 v4, $0x7  }
0x98: {  	[tilespmem:$0x7620] =	vst v4  }
0x99: {  	v4 =	vld [tilespmem:s25+$0x4E80];
	_ =	sdelay $0x4  }
0x9a: {  	v4 =	vshrl.u32 v4, $0x7  }
0x9b: {  	[tilespmem:$0x7630] =	vst v4  }
0x9c: {  	v4 =	vld [tilespmem:s25+$0x4E90];
	_ =	sdelay $0x3  }
0x9d: {  	s25 =	ssub.s32 s21, s25  }
0x9e: {  	p0 =	slt.s32 s25, $0x1;
	v4 =	vshrl.u32 v4, $0x7  }
.Ltmp7:
0x9f: {  	[tilespmem:$0x7640] =	vst v4;
	(pc) =	sbr.rel @p0 .LBB2_10-.Ltmp7, $4  }
0xa0: {  	[tilespmem:s15], [sflag:$0x1] =	stream.indirect.gather [hbm4b:s3+s13], $0x20, s14, s13, $0xb8;
	[tilespmem:$0xC610] =	vst v63  }
0xa1: {  	_ =	swait.ge [sflag:s12], $0x1000  }
0xa2: {  	[sflag:s12] =	ssyncset.done $0x0  }
0xa3: {  	[sflag:s12] =	ssyncadd.s32 $0xFFFFF000  }
0xa4: {  	v4 =	vld [tilespmem:s20+$0x0];
	_ =	sdelay $0x4  }
0xa5: {  	(v2sf) =	vpush v4, $0x0;
	_ =	sdelay $0xe  }
0xa6: {  	s26 =	spop (v2sf)  }
0xa7: {  	s28 =	sand.u32 $0x7F, s26  }
0xa8: {  	s29 =	smul.u32 $0xC0, s28  }
0xa9: {  	s25 =	simm.s32 $0x7660  }
0xaa: {  	v4 =	vld [tilespmem:s25+$0xFFFFFFF0];
	s29 =	sshrl.u32 s29, $0x2  }
0xab: {  	v5 =	vld [tilespmem:s29+$0x8650];
	_ =	sdelay $0x4  }
0xac: {  	v4 =	vadd.f32 v4, v5  }
0xad: {  	v5 =	vld [tilespmem:s29+$0x8670]  }
0xae: {  	[tilespmem:s29+$0x8650] =	vst v4;
	v4 =	vld [tilespmem:s29+$0x8660]  }
0xaf: {  	v6 =	vld [tilespmem:s25+$0x0];
	_ =	sdelay $0x1  }
0xb0: {  	s30 =	sshrl.u32 s26, $0x7  }
0xb1: {  	s30 =	smax.u32 s30, $0x28  }
0xb2: {  	s28 =	smul.u32 $0x1C0, s28;
	s30 =	smin.u32 s30, $0x8D;
	v5 =	vadd.f32 v2, v5  }
0xb3: {  	s30 =	sadd.s32 $0xFFFFFFD8, s30;
	v4 =	vadd.f32 v6, v4  }
0xb4: {  	s28 =	sshrl.u32 s28, $0x2;
	s31 =	sand.u32 $0xFFFFFFF0, s30;
	[tilespmem:s29+$0x8670] =	vst v5  }
0xb5: {  	p0 =	sgt.s32 s24, $0x1;
	[tilespmem:s29+$0x8660] =	vst v4;
	s29 =	sadd.s32 s31, s28;
	s28 =	smov.u32 s24  }
0xb6: {  	s26 =	sadd.s32 $0xFFFFEC00, s26;
	s28 =	simm.s32 @!p0 $0x1  }
0xb7: {  	p1 =	slt.u32 s26, $0x3300;
	v4 =	vld [tilespmem:s29+$0x9970];
	s28 =	smin.u32 s28, $0x80  }
0xb8: {  	s26 =	simm.f32 $1.000000000e+00;
	s30 =	sand.u32 $0xF, s30;
	p0 =	sne.s32 s28, $0x1  }
.Ltmp8:
0xb9: {  	s26 =	simm.s32 @!p1 $0x0;
	v5 =	vmov s30;
	(pc) =	sbr.rel @!p0 .LBB2_9-.Ltmp8, $4  }
0xba: {  	vm0 =	veq.s32 v5, v3;
	v5 =	vmov s26  }
0xbb: {  	v5 =	vnsel vm0, $0x0, v5  }
0xbc: {  	v4 =	vadd.f32 v5, v4  }
0xbd: {  	s26 =	sadd.s32 $0xFFFFFFFF, s28;
	s28 =	smov.u32 s20  }
.LBB2_8:
0xbe: {  	p0 =	sne.s32 s26, $0x1;
	[tilespmem:s29+$0x9970] =	vst v4;
	s28 =	sadd.s32 $0x1, s28;
	s25 =	sadd.s32 $0x20, s25  }
0xbf: {  	s26 =	sadd.s32 $0xFFFFFFFF, s26;
	v4 =	vld [tilespmem:s28+$0x0];
	_ =	sdelay $0x4  }
0xc0: {  	(v2sf) =	vpush v4, $0x0;
	_ =	sdelay $0xe  }
0xc1: {  	s29 =	spop (v2sf)  }
0xc2: {  	s30 =	sand.u32 $0x7F, s29;
	s31 =	sshrl.u32 s29, $0x7  }
0xc3: {  	s29 =	sadd.s32 $0xFFFFEC00, s29;
	s1 =	smul.u32 $0xC0, s30;
	s31 =	smax.u32 s31, $0x28  }
0xc4: {  	p1 =	slt.u32 s29, $0x3300;
	s29 =	smin.u32 s31, $0x8D;
	s31 =	simm.f32 $1.000000000e+00  }
0xc5: {  	s30 =	smul.u32 $0x1C0, s30;
	s31 =	simm.s32 @!p1 $0x0  }
0xc6: {  	s1 =	sshrl.u32 s1, $0x2;
	s29 =	sadd.s32 $0xFFFFFFD8, s29;
	v4 =	vld [tilespmem:s25+$0xFFFFFFF0]  }
0xc7: {  	s0 =	sand.u32 $0xF, s29;
	s29 =	sand.u32 $0xFFFFFFF0, s29;
	v5 =	vld [tilespmem:s1+$0x8650]  }
0xc8: {  	v6 =	vmov s0  }
0xc9: {  	vm0 =	veq.s32 v6, v3;
	v7 =	vld [tilespmem:s1+$0x8670];
	_ =	sdelay $0x2  }
0xca: {  	v4 =	vadd.f32 v4, v5;
	_ =	sdelay $0x1  }
0xcb: {  	[tilespmem:s1+$0x8650] =	vst v4;
	v4 =	vld [tilespmem:s1+$0x8660];
	v5 =	vadd.f32 v2, v7  }
0xcc: {  	v6 =	vld [tilespmem:s25+$0x0]  }
0xcd: {  	[tilespmem:s1+$0x8670] =	vst v5;
	_ =	sdelay $0x3  }
0xce: {  	v4 =	vadd.f32 v6, v4  }
0xcf: {  	s0 =	sshrl.u32 s30, $0x2  }
0xd0: {  	s29 =	sadd.s32 s29, s0;
	[tilespmem:s1+$0x8660] =	vst v4  }
0xd1: {  	v4 =	vld [tilespmem:s29+$0x9970]  }
.Ltmp9:
0xd2: {  	(pc) =	sbr.rel @p0 .LBB2_8-.Ltmp9, $4  }
0xd3: {  	_ = 	snop  }
0xd4: {  	v5 =	vmov s31  }
0xd5: {  	v5 =	vnsel vm0, $0x0, v5  }
0xd6: {  	v4 =	vadd.f32 v5, v4  }
.Ltmp10:
0xd7: {  	_ = 	snop;
	(pc) =	sbr.rel .LBB2_9-.Ltmp10, $1  }
0xd8: {  	_ =	sdelay $0x3  }
.LBB2_12:
0xd9: {  	_ =	sfence.sel $0x180000  }
0xda: {  	[bflag:$0x0] =	sbarrier.arrive $0xFFFF  }
0xdb: {  	_ =	strace $0x90000047  }
0xdc: {  	s0 =	stileid.u32;
	[bflag:$0x2] =	sbarrier.arrive $0xFFFF  }
0xdd: {  	p0 =	sne.s32 s0, $0x0;
	s0 =	rddreg [dreg:$0x1]  }
0xde: {  	s0 =	sadd.s32 @!p0 $0x100000, s0  }
0xdf: {  	[sflag:s0] =	ssyncadd.tile.s32 @!p0 $0x1;
	_ =	shalt  }
.Lfunc_end2:
_tile_overlayer_lowered:
.L_overlay_start_2:
0xe0: {  	(tag) =	ssettag $0x2  }
0xe1: {  	s0 =	rddreg [dreg:$0x0];
	s2 =	stileid.u32  }
0xe2: {  	s1 =	rddreg [dreg:$0x1];
	p0 =	sne.s32 s2, $0x0  }
0xe3: {  	s3 =	rddreg [dreg:$0x2];
	[bflag:$0x3] =	sbarrier.arrive $0xFFFF;
	s2 =	simm.s32 @!p0 $0x1C03  }
0xe4: {  	[timem:s3], [sflag:s2] =	dma.local @!p0 [hbm:s0], s1  }
0xe5: {  	s0 =	simm.s32 @!p0 $0x3  }
0xe6: {  	_ =	swait.ge @!p0 [sflag:s0], s1  }
0xe7: {  	s1 =	ssub.s32 @!p0 $0x0, s1;
	[sflag:s0] =	ssyncset.done @!p0 $0x0  }
0xe8: {  	[sflag:s0] =	ssyncadd.s32 @!p0 s1  }
0xe9: {  	[bflag:$0x3] =	sbarrier.arrive $0xFFFF  }
0xea: {  	_ =	shalt  }

</sc_bundles>
